<compile_context>
chip_gen: v7x
topology: tpu7x:2x2x1
jax: 0.10.2.dev20260603
libtpu: 0.0.44.dev20260713+nightly
codegen_flags: <defaults>
</compile_context>

<pallas_src>
import jax
import jax.numpy as jnp
from jax import lax
from jax.experimental import pallas as pl
from jax.experimental.pallas import tpu as pltpu
from jax.experimental.pallas import tpu_sc as plsc

D = 256
K = 64
B = 8
S = 256
ROWS = B * S
FLAT = D * K
NW = 32
B_SC = 2
R_SC = B_SC * S
RPW = R_SC // NW
RB = 2
LANES = 16


def _gate_topk_body(wt_ref, b_ref, imp_ref, fw_ref, sel_ref, selt_ref):
    imp = imp_ref[...]
    m = jnp.max(imp, axis=1, keepdims=True)
    e = jnp.exp(imp - m)
    wts = e / jnp.sum(e, axis=1, keepdims=True)
    wt = wt_ref[...].astype(jnp.bfloat16).astype(jnp.float32)
    g = jax.nn.sigmoid(wt + b_ref[...])
    fw = wts * g
    fw_ref[...] = fw

    jidx = lax.broadcasted_iota(jnp.int32, (D, D), 1)
    work = fw
    for r in range(K):
        mx = jnp.max(work, axis=1, keepdims=True)
        cand = jnp.where(work == mx, jidx, D)
        j = jnp.min(cand, axis=1, keepdims=True)
        sel_ref[:, r:r + 1] = j
        work = jnp.where(jidx == j, -jnp.inf, work)
    selt_ref[...] = sel_ref[...].T


_gate_topk = pl.pallas_call(
    _gate_topk_body,
    out_shape=(
        jax.ShapeDtypeStruct((D, D), jnp.float32),
        jax.ShapeDtypeStruct((D, K), jnp.int32),
        jax.ShapeDtypeStruct((K, D), jnp.int32),
    ),
)


def _sc_gather_body(x_hbm, idx_hbm, out_hbm,
                    idx_v, xr0, xr1, ov0, ov1, sem0, sem1):
    cid = lax.axis_index("c")
    sid = lax.axis_index("s")
    wid = sid * 2 + cid
    row0 = wid * RPW
    pltpu.sync_copy(idx_hbm, idx_v)

    bufs = ((xr0, ov0, sem0), (xr1, ov1, sem1))

    def pair(i, _):
        for half in range(2):
            xr, ov, sem = bufs[half]
            rb = i * 2 + half
            base = row0 + rb * RB

            dst = out_hbm.at[pl.ds(base * K, RB * K)]

            @pl.when(i > 0)
            def _():
                pltpu.make_async_copy(ov, dst, sem).wait()

            pltpu.sync_copy(x_hbm.at[pl.ds(base * D, RB * D)], xr)

            @plsc.parallel_loop(0, FLAT // LANES, unroll=8)
            def _(o):
                off = o * LANES
                iv = idx_v[pl.ds(off, LANES)]
                for r in range(RB):
                    ov[r * K + off // D, pl.ds(off % D, LANES)] = (
                        plsc.load_gather(xr, [iv + r * D]))

            pltpu.async_copy(ov, dst, sem)
        return 0

    lax.fori_loop(0, RPW // (2 * RB), pair, 0)
    for half in range(2):
        xr, ov, sem = bufs[half]
        pltpu.make_async_copy(ov, out_hbm.at[pl.ds(row0 * K, RB * K)], sem).wait()


_sc_gather_cached = None


def _sc_gather(x_flat, idx_flat):
    global _sc_gather_cached
    if _sc_gather_cached is None:
        _sc_gather_cached = pl.kernel(
            _sc_gather_body,
            out_type=jax.ShapeDtypeStruct((R_SC * K, D), jnp.float32),
            mesh=plsc.VectorSubcoreMesh(
                core_axis_name="c", subcore_axis_name="s",
                num_cores=2, num_subcores=16,
            ),
            compiler_params=pltpu.CompilerParams(needs_layout_passes=False),
            scratch_types=[
                pltpu.VMEM((FLAT,), jnp.int32),
                pltpu.VMEM((RB * D,), jnp.float32),
                pltpu.VMEM((RB * D,), jnp.float32),
                pltpu.VMEM((RB * K, D), jnp.float32),
                pltpu.VMEM((RB * K, D), jnp.float32),
                pltpu.SemaphoreType.DMA,
                pltpu.SemaphoreType.DMA,
            ],
        )
    return _sc_gather_cached(x_flat, idx_flat)


KG = 8


def _tc_gather_body(x_ref, selt_ref, out_ref, hi_ref, lo_ref):
    @pl.when(pl.program_id(1) == 0)
    def _():
        x2 = x_ref[0]
        hi_ref[...] = x2.astype(jnp.bfloat16)
        lo_ref[...] = (x2 - hi_ref[...].astype(jnp.float32)).astype(jnp.bfloat16)

    hi = hi_ref[...]
    lo = lo_ref[...]
    jidx = lax.broadcasted_iota(jnp.int32, (D, D), 0)
    for kk in range(KG):
        t = selt_ref[kk:kk + 1, :]
        p = (jidx == t).astype(jnp.bfloat16)
        acc = (jnp.dot(hi, p, preferred_element_type=jnp.float32)
               + jnp.dot(lo, p, preferred_element_type=jnp.float32))
        out_ref[0, :, kk, :] = acc


B_TC = B - B_SC

_tc_gather = pl.pallas_call(
    _tc_gather_body,
    grid=(B_TC, K // KG),
    in_specs=[
        pl.BlockSpec((1, S, D), lambda b, g: (b + B_SC, 0, 0)),
        pl.BlockSpec((KG, D), lambda b, g: (g, 0)),
    ],
    out_specs=pl.BlockSpec((1, S, KG, D), lambda b, g: (b + B_SC, 0, g, 0)),
    out_shape=jax.ShapeDtypeStruct((B, S, K, D), jnp.float32),
    scratch_shapes=[
        pltpu.VMEM((S, D), jnp.bfloat16),
        pltpu.VMEM((S, D), jnp.bfloat16),
    ],
)


def _inject_body(sc_ref, tc_ref, out_ref):
    del tc_ref
    out_ref[...] = sc_ref[...]


_inject = pl.pallas_call(
    _inject_body,
    grid=(B_SC, K // KG),
    in_specs=[
        pl.BlockSpec((1, S, KG, D), lambda b, g: (b, 0, g, 0)),
        pl.BlockSpec(memory_space=pl.ANY),
    ],
    out_specs=pl.BlockSpec((1, S, KG, D), lambda b, g: (b, 0, g, 0)),
    out_shape=jax.ShapeDtypeStruct((B, S, K, D), jnp.float32),
    input_output_aliases={1: 0},
)


def kernel(x, importance_scores, W, b):
    fw, sel, selt = _gate_topk(
        W.T, b.reshape(1, D), importance_scores.reshape(1, D))
    sc2d = _sc_gather(x[:B_SC].reshape(R_SC * D), selt.reshape(FLAT))
    tc_full = _tc_gather(x, selt)
    out_t = _inject(sc2d.reshape(B_SC, S, K, D), tc_full)
    return jnp.transpose(out_t, (0, 1, 3, 2)), fw

# --- scband reference (transcript-rebuilt; emitter-appended) ---
"""Pipeline reference for scband-variate-selection-gate-19662360281648 (READ-ONLY COPY).

The authoritative reference and input builder live on the scoring server;
editing this copy changes nothing except your own understanding.
"""

import jax, jax.numpy as jnp
import numpy as np

D = 256
K = 64

def setup_inputs(seed: int = 0) -> dict:
    key = jax.random.key(seed)
    k1, k2, k3 = jax.random.split(key, 3)
    x = jax.random.normal(k1, (8, 256, D), dtype=jnp.float32)
    # nn.Parameter(torch.ones(input_dim))
    importance_scores = jnp.ones((D,), dtype=jnp.float32)
    # nn.Linear(D, D): weight (D, D), bias (D,)
    bound = 1.0 / np.sqrt(D)
    W = jax.random.uniform(k2, (D, D), dtype=jnp.float32, minval=-bound, maxval=bound)
    b = jax.random.uniform(k3, (D,), dtype=jnp.float32, minval=-bound, maxval=bound)
    return {"x": x, "importance_scores": importance_scores, "W": W, "b": b}

def reference(x, importance_scores, W, b):
    Dn = importance_scores.shape[0]
    weights = jax.nn.softmax(importance_scores, axis=0)  # (D,)
    eye = jnp.eye(Dn, dtype=x.dtype)
    # torch: sigmoid(Linear(eye)) -> sigmoid(eye @ W.T + b), shape (D, D)
    gate_scores = jax.nn.sigmoid(eye @ W.T + b)
    # .squeeze(-1) is a no-op since last dim is D != 1; broadcast (D,) * (D, D)
    final_weights = weights * gate_scores  # (D, D)
    # torch.topk along last dim -> indices (D, K)
    _, select_indices = jax.lax.top_k(final_weights, K)
    # x[:, :, select_indices] with 2-D index tensor -> (B, S, D, K)
    selected = x[:, :, select_indices]
    return selected, final_weights

if __name__ == "__main__":
    import jax
    _d = setup_inputs()
    print(jax.jit(kernel)(*tuple(_d.values())))

</pallas_src>

<mosaic_0001>
#map = affine_map<(d0, d1) -> (0)>
#map1 = affine_map<(d0, d1) -> (0, 0)>
module attributes {stable_mosaic.version = 14 : i64} {
  func.func @_sc_gather_body(%arg0: i32, %arg1: i32, %arg2: memref<131072xf32, #tpu.memory_space<hbm>>, %arg3: memref<16384xi32, #tpu.memory_space<hbm>>, %arg4: memref<32768x256xf32, #tpu.memory_space<hbm>>, %arg5: memref<16384xi32, #tpu.memory_space<vmem>>, %arg6: memref<512xf32, #tpu.memory_space<vmem>>, %arg7: memref<512xf32, #tpu.memory_space<vmem>>, %arg8: memref<128x256xf32, #tpu.memory_space<vmem>>, %arg9: memref<128x256xf32, #tpu.memory_space<vmem>>, %arg10: memref<!tpu.dma_semaphore, #tpu.memory_space<semaphore_mem>>, %arg11: memref<!tpu.dma_semaphore, #tpu.memory_space<semaphore_mem>>) attributes {dimension_semantics = [#tpu.dimension_semantics<core_parallel>, #tpu.dimension_semantics<subcore_parallel>], iteration_bounds = array<i64: 2, 16>, scalar_prefetch = 0 : i64, scratch_operands = 7 : i64, tpu.core_type = #tpu.core_type<sc_vector_subcore>, window_params = [{transform_indices = #map}, {transform_indices = #map}, {transform_indices = #map1}]} {
    %mul3A = arith.constant 2 : i32
    %mul3A_0 = arith.muli %arg1, %mul3A : i32
    %add3A = arith.addi %mul3A_0, %arg0 : i32
    %mul3A_1 = arith.constant 16 : i32
    %mul3A_2 = arith.muli %add3A, %mul3A_1 : i32
    "tpu.region"() ({
      %run_scoped3A = tpu.sem_alloc : memref<!tpu.dma_semaphore, #tpu.memory_space<semaphore_mem>>
      tpu.enqueue_dma source(%arg3 : memref<16384xi32, #tpu.memory_space<hbm>>) target(%arg5 : memref<16384xi32, #tpu.memory_space<vmem>>) target_semaphore(%run_scoped3A : memref<!tpu.dma_semaphore, #tpu.memory_space<semaphore_mem>>)
      tpu.wait_dma2 semaphore(%run_scoped3A : memref<!tpu.dma_semaphore, #tpu.memory_space<semaphore_mem>>) src(%arg3 : memref<16384xi32, #tpu.memory_space<hbm>>) dst(%arg5 : memref<16384xi32, #tpu.memory_space<vmem>>)
      tpu.yield
    }) : () -> ()
    %scan3A = arith.constant 0 : i32
    %scan3A_3 = arith.constant 0 : i32
    %scan3A_4 = arith.constant 4 : i32
    %scan3A_5 = arith.addi %scan3A_3, %scan3A_4 : i32
    %scan3A_6 = arith.constant 1 : i32
    %scan3A_7 = scf.for %scan3A_20 = %scan3A_3 to %scan3A_5 step %scan3A_6 iter_args(%scan3A_21 = %scan3A) -> (i32)  : i32 {
      %mul3A_22 = arith.constant 2 : i32
      %mul3A_23 = arith.muli %scan3A_20, %mul3A_22 : i32
      %add3A_24 = arith.constant 0 : i32
      %add3A_25 = arith.addi %mul3A_23, %add3A_24 : i32
      %mul3A_26 = arith.constant 2 : i32
      %mul3A_27 = arith.muli %add3A_25, %mul3A_26 : i32
      %add3A_28 = arith.addi %mul3A_2, %mul3A_27 : i32
      %mul3A_29 = arith.constant 64 : i32
      %mul3A_30 = arith.muli %add3A_28, %mul3A_29 : i32
      %gt3A = arith.constant 0 : i32
      %gt3A_31 = arith.cmpi sgt, %scan3A_20, %gt3A : i32
      %convert_element_type3A = arith.extui %gt3A_31 : i1 to i32
      %cond3A = arith.constant 0 : i32
      %cond3A_32 = arith.cmpi ne, %convert_element_type3A, %cond3A : i32
      scf.if %cond3A_32 {
        %dma_wait3A_64 = arith.constant 0 : i32
        %dma_wait3A_65 = tpu.memref_slice %arg4[%mul3A_30, %dma_wait3A_64] : memref<32768x256xf32, #tpu.memory_space<hbm>> -> memref<128x256xf32, #tpu.memory_space<hbm>>
        %dma_wait3A_66 = arith.constant 0 : i32
        %dma_wait3A_67 = tpu.memref_slice %arg4[%mul3A_30, %dma_wait3A_66] : memref<32768x256xf32, #tpu.memory_space<hbm>> -> memref<128x256xf32, #tpu.memory_space<hbm>>
        tpu.wait_dma2 semaphore(%arg10 : memref<!tpu.dma_semaphore, #tpu.memory_space<semaphore_mem>>) src(%arg8 : memref<128x256xf32, #tpu.memory_space<vmem>>) dst(%dma_wait3A_67 : memref<128x256xf32, #tpu.memory_space<hbm>>)
      } else {
      }
      %mul3A_33 = arith.constant 256 : i32
      %mul3A_34 = arith.muli %add3A_28, %mul3A_33 : i32
      "tpu.region"() ({
        %run_scoped3A = tpu.sem_alloc : memref<!tpu.dma_semaphore, #tpu.memory_space<semaphore_mem>>
        %dma_start3A_64 = tpu.memref_slice %arg2[%mul3A_34] : memref<131072xf32, #tpu.memory_space<hbm>> -> memref<512xf32, #tpu.memory_space<hbm>>
        %dma_start3A_65 = tpu.memref_slice %arg2[%mul3A_34] : memref<131072xf32, #tpu.memory_space<hbm>> -> memref<512xf32, #tpu.memory_space<hbm>>
        tpu.enqueue_dma source(%dma_start3A_65 : memref<512xf32, #tpu.memory_space<hbm>>) target(%arg6 : memref<512xf32, #tpu.memory_space<vmem>>) target_semaphore(%run_scoped3A : memref<!tpu.dma_semaphore, #tpu.memory_space<semaphore_mem>>)
        %dma_wait3A_66 = tpu.memref_slice %arg2[%mul3A_34] : memref<131072xf32, #tpu.memory_space<hbm>> -> memref<512xf32, #tpu.memory_space<hbm>>
        %dma_wait3A_67 = tpu.memref_slice %arg2[%mul3A_34] : memref<131072xf32, #tpu.memory_space<hbm>> -> memref<512xf32, #tpu.memory_space<hbm>>
        tpu.wait_dma2 semaphore(%run_scoped3A : memref<!tpu.dma_semaphore, #tpu.memory_space<semaphore_mem>>) src(%dma_wait3A_67 : memref<512xf32, #tpu.memory_space<hbm>>) dst(%arg6 : memref<512xf32, #tpu.memory_space<vmem>>)
        tpu.yield
      }) : () -> ()
      %parallel_loop3A = arith.constant 0 : i32
      %parallel_loop3A_35 = arith.constant 1024 : i32
      %parallel_loop3A_36 = arith.constant 1 : i32
      scf.for %parallel_loop3A_64 = %parallel_loop3A to %parallel_loop3A_35 step %parallel_loop3A_36  : i32 {
        %parallel_loop3A_65 = arith.constant 16 : i32
        %parallel_loop3A_66 = arith.muli %parallel_loop3A_64, %parallel_loop3A_65 : i32
        %parallel_loop3A_67 = arith.index_cast %parallel_loop3A_66 : i32 to index
        %parallel_loop3A_68 = tpu.vector_load %arg5[%parallel_loop3A_67] {strides = array<i32>} : memref<16384xi32, #tpu.memory_space<vmem>>, vector<16xi32>,
        %parallel_loop3A_69 = arith.constant 0 : i32
        %parallel_loop3A_70 = vector.broadcast %parallel_loop3A_69 : i32 to vector<16xi32>
        %parallel_loop3A_71 = arith.addi %parallel_loop3A_68, %parallel_loop3A_70 : vector<16xi32>
        %parallel_loop3A_72 = tpu.vector_load_idx %arg6[%parallel_loop3A_71] : memref<512xf32, #tpu.memory_space<vmem>>[vector<16xi32>], vector<16xf32>,
        %parallel_loop3A_73 = arith.constant 256 : i32
        %parallel_loop3A_74 = arith.divsi %parallel_loop3A_66, %parallel_loop3A_73 : i32
        %parallel_loop3A_75 = arith.constant 0 : i32
        %parallel_loop3A_76 = arith.cmpi sgt, %parallel_loop3A_66, %parallel_loop3A_75 : i32
        %parallel_loop3A_77 = arith.extui %parallel_loop3A_76 : i1 to i32
        %parallel_loop3A_78 = arith.constant 0 : i32
        %parallel_loop3A_79 = arith.cmpi slt, %parallel_loop3A_66, %parallel_loop3A_78 : i32
        %parallel_loop3A_80 = arith.extui %parallel_loop3A_79 : i1 to i32
        %parallel_loop3A_81 = arith.subi %parallel_loop3A_77, %parallel_loop3A_80 : i32
        %parallel_loop3A_82 = arith.constant 0 : i32
        %parallel_loop3A_83 = arith.cmpi sgt, %parallel_loop3A_73, %parallel_loop3A_82 : i32
        %parallel_loop3A_84 = arith.extui %parallel_loop3A_83 : i1 to i32
        %parallel_loop3A_85 = arith.constant 0 : i32
        %parallel_loop3A_86 = arith.cmpi slt, %parallel_loop3A_73, %parallel_loop3A_85 : i32
        %parallel_loop3A_87 = arith.extui %parallel_loop3A_86 : i1 to i32
        %parallel_loop3A_88 = arith.subi %parallel_loop3A_84, %parallel_loop3A_87 : i32
        %parallel_loop3A_89 = arith.cmpi ne, %parallel_loop3A_81, %parallel_loop3A_88 : i32
        %parallel_loop3A_90 = arith.remsi %parallel_loop3A_66, %parallel_loop3A_73 : i32
        %parallel_loop3A_91 = arith.constant 0 : i32
        %parallel_loop3A_92 = arith.cmpi ne, %parallel_loop3A_90, %parallel_loop3A_91 : i32
        %parallel_loop3A_93 = arith.andi %parallel_loop3A_89, %parallel_loop3A_92 : i1
        %parallel_loop3A_94 = arith.constant 1 : i32
        %parallel_loop3A_95 = arith.subi %parallel_loop3A_74, %parallel_loop3A_94 : i32
        %parallel_loop3A_96 = arith.select %parallel_loop3A_93, %parallel_loop3A_95, %parallel_loop3A_74 : i32
        %parallel_loop3A_97 = arith.constant 0 : i32
        %parallel_loop3A_98 = arith.addi %parallel_loop3A_97, %parallel_loop3A_96 : i32
        %parallel_loop3A_99 = arith.constant 256 : i32
        %parallel_loop3A_100 = arith.constant 0 : i32
        %parallel_loop3A_101 = arith.cmpi eq, %parallel_loop3A_99, %parallel_loop3A_100 : i32
        %parallel_loop3A_102 = arith.constant 1 : i32
        %parallel_loop3A_103 = arith.select %parallel_loop3A_101, %parallel_loop3A_102, %parallel_loop3A_99 : i32
        %parallel_loop3A_104 = arith.remsi %parallel_loop3A_66, %parallel_loop3A_103 : i32
        %parallel_loop3A_105 = arith.constant 0 : i32
        %parallel_loop3A_106 = arith.cmpi ne, %parallel_loop3A_104, %parallel_loop3A_105 : i32
        %parallel_loop3A_107 = arith.constant 0 : i32
        %parallel_loop3A_108 = arith.cmpi slt, %parallel_loop3A_104, %parallel_loop3A_107 : i32
        %parallel_loop3A_109 = arith.constant 0 : i32
        %parallel_loop3A_110 = arith.cmpi slt, %parallel_loop3A_103, %parallel_loop3A_109 : i32
        %parallel_loop3A_111 = arith.xori %parallel_loop3A_108, %parallel_loop3A_110 : i1
        %parallel_loop3A_112 = arith.andi %parallel_loop3A_111, %parallel_loop3A_106 : i1
        %parallel_loop3A_113 = arith.addi %parallel_loop3A_104, %parallel_loop3A_103 : i32
        %parallel_loop3A_114 = arith.select %parallel_loop3A_112, %parallel_loop3A_113, %parallel_loop3A_104 : i32
        %parallel_loop3A_115 = arith.index_cast %parallel_loop3A_98 : i32 to index
        %parallel_loop3A_116 = arith.index_cast %parallel_loop3A_114 : i32 to index
        %parallel_loop3A_117 = tpu.vector_load %arg8[%parallel_loop3A_115, %parallel_loop3A_116] {strides = array<i32>} : memref<128x256xf32, #tpu.memory_space<vmem>>, vector<16xf32>,
        tpu.vector_store %arg8[%parallel_loop3A_115, %parallel_loop3A_116], %parallel_loop3A_72 {strides = array<i32>} : memref<128x256xf32, #tpu.memory_space<vmem>>, vector<16xf32>,
        %parallel_loop3A_118 = arith.constant 256 : i32
        %parallel_loop3A_119 = vector.broadcast %parallel_loop3A_118 : i32 to vector<16xi32>
        %parallel_loop3A_120 = arith.addi %parallel_loop3A_68, %parallel_loop3A_119 : vector<16xi32>
        %parallel_loop3A_121 = tpu.vector_load_idx %arg6[%parallel_loop3A_120] : memref<512xf32, #tpu.memory_space<vmem>>[vector<16xi32>], vector<16xf32>,
        %parallel_loop3A_122 = arith.constant 256 : i32
        %parallel_loop3A_123 = arith.divsi %parallel_loop3A_66, %parallel_loop3A_122 : i32
        %parallel_loop3A_124 = arith.constant 0 : i32
        %parallel_loop3A_125 = arith.cmpi sgt, %parallel_loop3A_66, %parallel_loop3A_124 : i32
        %parallel_loop3A_126 = arith.extui %parallel_loop3A_125 : i1 to i32
        %parallel_loop3A_127 = arith.constant 0 : i32
        %parallel_loop3A_128 = arith.cmpi slt, %parallel_loop3A_66, %parallel_loop3A_127 : i32
        %parallel_loop3A_129 = arith.extui %parallel_loop3A_128 : i1 to i32
        %parallel_loop3A_130 = arith.subi %parallel_loop3A_126, %parallel_loop3A_129 : i32
        %parallel_loop3A_131 = arith.constant 0 : i32
        %parallel_loop3A_132 = arith.cmpi sgt, %parallel_loop3A_122, %parallel_loop3A_131 : i32
        %parallel_loop3A_133 = arith.extui %parallel_loop3A_132 : i1 to i32
        %parallel_loop3A_134 = arith.constant 0 : i32
        %parallel_loop3A_135 = arith.cmpi slt, %parallel_loop3A_122, %parallel_loop3A_134 : i32
        %parallel_loop3A_136 = arith.extui %parallel_loop3A_135 : i1 to i32
        %parallel_loop3A_137 = arith.subi %parallel_loop3A_133, %parallel_loop3A_136 : i32
        %parallel_loop3A_138 = arith.cmpi ne, %parallel_loop3A_130, %parallel_loop3A_137 : i32
        %parallel_loop3A_139 = arith.remsi %parallel_loop3A_66, %parallel_loop3A_122 : i32
        %parallel_loop3A_140 = arith.constant 0 : i32
        %parallel_loop3A_141 = arith.cmpi ne, %parallel_loop3A_139, %parallel_loop3A_140 : i32
        %parallel_loop3A_142 = arith.andi %parallel_loop3A_138, %parallel_loop3A_141 : i1
        %parallel_loop3A_143 = arith.constant 1 : i32
        %parallel_loop3A_144 = arith.subi %parallel_loop3A_123, %parallel_loop3A_143 : i32
        %parallel_loop3A_145 = arith.select %parallel_loop3A_142, %parallel_loop3A_144, %parallel_loop3A_123 : i32
        %parallel_loop3A_146 = arith.constant 64 : i32
        %parallel_loop3A_147 = arith.addi %parallel_loop3A_146, %parallel_loop3A_145 : i32
        %parallel_loop3A_148 = arith.constant 256 : i32
        %parallel_loop3A_149 = arith.constant 0 : i32
        %parallel_loop3A_150 = arith.cmpi eq, %parallel_loop3A_148, %parallel_loop3A_149 : i32
        %parallel_loop3A_151 = arith.constant 1 : i32
        %parallel_loop3A_152 = arith.select %parallel_loop3A_150, %parallel_loop3A_151, %parallel_loop3A_148 : i32
        %parallel_loop3A_153 = arith.remsi %parallel_loop3A_66, %parallel_loop3A_152 : i32
        %parallel_loop3A_154 = arith.constant 0 : i32
        %parallel_loop3A_155 = arith.cmpi ne, %parallel_loop3A_153, %parallel_loop3A_154 : i32
        %parallel_loop3A_156 = arith.constant 0 : i32
        %parallel_loop3A_157 = arith.cmpi slt, %parallel_loop3A_153, %parallel_loop3A_156 : i32
        %parallel_loop3A_158 = arith.constant 0 : i32
        %parallel_loop3A_159 = arith.cmpi slt, %parallel_loop3A_152, %parallel_loop3A_158 : i32
        %parallel_loop3A_160 = arith.xori %parallel_loop3A_157, %parallel_loop3A_159 : i1
        %parallel_loop3A_161 = arith.andi %parallel_loop3A_160, %parallel_loop3A_155 : i1
        %parallel_loop3A_162 = arith.addi %parallel_loop3A_153, %parallel_loop3A_152 : i32
        %parallel_loop3A_163 = arith.select %parallel_loop3A_161, %parallel_loop3A_162, %parallel_loop3A_153 : i32
        %parallel_loop3A_164 = arith.index_cast %parallel_loop3A_147 : i32 to index
        %parallel_loop3A_165 = arith.index_cast %parallel_loop3A_163 : i32 to index
        %parallel_loop3A_166 = tpu.vector_load %arg8[%parallel_loop3A_164, %parallel_loop3A_165] {strides = array<i32>} : memref<128x256xf32, #tpu.memory_space<vmem>>, vector<16xf32>,
        tpu.vector_store %arg8[%parallel_loop3A_164, %parallel_loop3A_165], %parallel_loop3A_121 {strides = array<i32>} : memref<128x256xf32, #tpu.memory_space<vmem>>, vector<16xf32>,
      } {sc.loop_unroll_factor = 8 : i64, sc.parallel_access}
      %dma_start3A = arith.constant 0 : i32
      %dma_start3A_37 = tpu.memref_slice %arg4[%mul3A_30, %dma_start3A] : memref<32768x256xf32, #tpu.memory_space<hbm>> -> memref<128x256xf32, #tpu.memory_space<hbm>>
      %dma_start3A_38 = arith.constant 0 : i32
      %dma_start3A_39 = tpu.memref_slice %arg4[%mul3A_30, %dma_start3A_38] : memref<32768x256xf32, #tpu.memory_space<hbm>> -> memref<128x256xf32, #tpu.memory_space<hbm>>
      tpu.enqueue_dma source(%arg8 : memref<128x256xf32, #tpu.memory_space<vmem>>) target(%dma_start3A_39 : memref<128x256xf32, #tpu.memory_space<hbm>>) target_semaphore(%arg10 : memref<!tpu.dma_semaphore, #tpu.memory_space<semaphore_mem>>)
      %mul3A_40 = arith.constant 2 : i32
      %mul3A_41 = arith.muli %scan3A_20, %mul3A_40 : i32
      %add3A_42 = arith.constant 1 : i32
      %add3A_43 = arith.addi %mul3A_41, %add3A_42 : i32
      %mul3A_44 = arith.constant 2 : i32
      %mul3A_45 = arith.muli %add3A_43, %mul3A_44 : i32
      %add3A_46 = arith.addi %mul3A_2, %mul3A_45 : i32
      %mul3A_47 = arith.constant 64 : i32
      %mul3A_48 = arith.muli %add3A_46, %mul3A_47 : i32
      %gt3A_49 = arith.constant 0 : i32
      %gt3A_50 = arith.cmpi sgt, %scan3A_20, %gt3A_49 : i32
      %convert_element_type3A_51 = arith.extui %gt3A_50 : i1 to i32
      %cond3A_52 = arith.constant 0 : i32
      %cond3A_53 = arith.cmpi ne, %convert_element_type3A_51, %cond3A_52 : i32
      scf.if %cond3A_53 {
        %dma_wait3A_64 = arith.constant 0 : i32
        %dma_wait3A_65 = tpu.memref_slice %arg4[%mul3A_48, %dma_wait3A_64] : memref<32768x256xf32, #tpu.memory_space<hbm>> -> memref<128x256xf32, #tpu.memory_space<hbm>>
        %dma_wait3A_66 = arith.constant 0 : i32
        %dma_wait3A_67 = tpu.memref_slice %arg4[%mul3A_48, %dma_wait3A_66] : memref<32768x256xf32, #tpu.memory_space<hbm>> -> memref<128x256xf32, #tpu.memory_space<hbm>>
        tpu.wait_dma2 semaphore(%arg11 : memref<!tpu.dma_semaphore, #tpu.memory_space<semaphore_mem>>) src(%arg9 : memref<128x256xf32, #tpu.memory_space<vmem>>) dst(%dma_wait3A_67 : memref<128x256xf32, #tpu.memory_space<hbm>>)
      } else {
      }
      %mul3A_54 = arith.constant 256 : i32
      %mul3A_55 = arith.muli %add3A_46, %mul3A_54 : i32
      "tpu.region"() ({
        %run_scoped3A = tpu.sem_alloc : memref<!tpu.dma_semaphore, #tpu.memory_space<semaphore_mem>>
        %dma_start3A_64 = tpu.memref_slice %arg2[%mul3A_55] : memref<131072xf32, #tpu.memory_space<hbm>> -> memref<512xf32, #tpu.memory_space<hbm>>
        %dma_start3A_65 = tpu.memref_slice %arg2[%mul3A_55] : memref<131072xf32, #tpu.memory_space<hbm>> -> memref<512xf32, #tpu.memory_space<hbm>>
        tpu.enqueue_dma source(%dma_start3A_65 : memref<512xf32, #tpu.memory_space<hbm>>) target(%arg7 : memref<512xf32, #tpu.memory_space<vmem>>) target_semaphore(%run_scoped3A : memref<!tpu.dma_semaphore, #tpu.memory_space<semaphore_mem>>)
        %dma_wait3A_66 = tpu.memref_slice %arg2[%mul3A_55] : memref<131072xf32, #tpu.memory_space<hbm>> -> memref<512xf32, #tpu.memory_space<hbm>>
        %dma_wait3A_67 = tpu.memref_slice %arg2[%mul3A_55] : memref<131072xf32, #tpu.memory_space<hbm>> -> memref<512xf32, #tpu.memory_space<hbm>>
        tpu.wait_dma2 semaphore(%run_scoped3A : memref<!tpu.dma_semaphore, #tpu.memory_space<semaphore_mem>>) src(%dma_wait3A_67 : memref<512xf32, #tpu.memory_space<hbm>>) dst(%arg7 : memref<512xf32, #tpu.memory_space<vmem>>)
        tpu.yield
      }) : () -> ()
      %parallel_loop3A_56 = arith.constant 0 : i32
      %parallel_loop3A_57 = arith.constant 1024 : i32
      %parallel_loop3A_58 = arith.constant 1 : i32
      scf.for %parallel_loop3A_64 = %parallel_loop3A_56 to %parallel_loop3A_57 step %parallel_loop3A_58  : i32 {
        %parallel_loop3A_65 = arith.constant 16 : i32
        %parallel_loop3A_66 = arith.muli %parallel_loop3A_64, %parallel_loop3A_65 : i32
        %parallel_loop3A_67 = arith.index_cast %parallel_loop3A_66 : i32 to index
        %parallel_loop3A_68 = tpu.vector_load %arg5[%parallel_loop3A_67] {strides = array<i32>} : memref<16384xi32, #tpu.memory_space<vmem>>, vector<16xi32>,
        %parallel_loop3A_69 = arith.constant 0 : i32
        %parallel_loop3A_70 = vector.broadcast %parallel_loop3A_69 : i32 to vector<16xi32>
        %parallel_loop3A_71 = arith.addi %parallel_loop3A_68, %parallel_loop3A_70 : vector<16xi32>
        %parallel_loop3A_72 = tpu.vector_load_idx %arg7[%parallel_loop3A_71] : memref<512xf32, #tpu.memory_space<vmem>>[vector<16xi32>], vector<16xf32>,
        %parallel_loop3A_73 = arith.constant 256 : i32
        %parallel_loop3A_74 = arith.divsi %parallel_loop3A_66, %parallel_loop3A_73 : i32
        %parallel_loop3A_75 = arith.constant 0 : i32
        %parallel_loop3A_76 = arith.cmpi sgt, %parallel_loop3A_66, %parallel_loop3A_75 : i32
        %parallel_loop3A_77 = arith.extui %parallel_loop3A_76 : i1 to i32
        %parallel_loop3A_78 = arith.constant 0 : i32
        %parallel_loop3A_79 = arith.cmpi slt, %parallel_loop3A_66, %parallel_loop3A_78 : i32
        %parallel_loop3A_80 = arith.extui %parallel_loop3A_79 : i1 to i32
        %parallel_loop3A_81 = arith.subi %parallel_loop3A_77, %parallel_loop3A_80 : i32
        %parallel_loop3A_82 = arith.constant 0 : i32
        %parallel_loop3A_83 = arith.cmpi sgt, %parallel_loop3A_73, %parallel_loop3A_82 : i32
        %parallel_loop3A_84 = arith.extui %parallel_loop3A_83 : i1 to i32
        %parallel_loop3A_85 = arith.constant 0 : i32
        %parallel_loop3A_86 = arith.cmpi slt, %parallel_loop3A_73, %parallel_loop3A_85 : i32
        %parallel_loop3A_87 = arith.extui %parallel_loop3A_86 : i1 to i32
        %parallel_loop3A_88 = arith.subi %parallel_loop3A_84, %parallel_loop3A_87 : i32
        %parallel_loop3A_89 = arith.cmpi ne, %parallel_loop3A_81, %parallel_loop3A_88 : i32
        %parallel_loop3A_90 = arith.remsi %parallel_loop3A_66, %parallel_loop3A_73 : i32
        %parallel_loop3A_91 = arith.constant 0 : i32
        %parallel_loop3A_92 = arith.cmpi ne, %parallel_loop3A_90, %parallel_loop3A_91 : i32
        %parallel_loop3A_93 = arith.andi %parallel_loop3A_89, %parallel_loop3A_92 : i1
        %parallel_loop3A_94 = arith.constant 1 : i32
        %parallel_loop3A_95 = arith.subi %parallel_loop3A_74, %parallel_loop3A_94 : i32
        %parallel_loop3A_96 = arith.select %parallel_loop3A_93, %parallel_loop3A_95, %parallel_loop3A_74 : i32
        %parallel_loop3A_97 = arith.constant 0 : i32
        %parallel_loop3A_98 = arith.addi %parallel_loop3A_97, %parallel_loop3A_96 : i32
        %parallel_loop3A_99 = arith.constant 256 : i32
        %parallel_loop3A_100 = arith.constant 0 : i32
        %parallel_loop3A_101 = arith.cmpi eq, %parallel_loop3A_99, %parallel_loop3A_100 : i32
        %parallel_loop3A_102 = arith.constant 1 : i32
        %parallel_loop3A_103 = arith.select %parallel_loop3A_101, %parallel_loop3A_102, %parallel_loop3A_99 : i32
        %parallel_loop3A_104 = arith.remsi %parallel_loop3A_66, %parallel_loop3A_103 : i32
        %parallel_loop3A_105 = arith.constant 0 : i32
        %parallel_loop3A_106 = arith.cmpi ne, %parallel_loop3A_104, %parallel_loop3A_105 : i32
        %parallel_loop3A_107 = arith.constant 0 : i32
        %parallel_loop3A_108 = arith.cmpi slt, %parallel_loop3A_104, %parallel_loop3A_107 : i32
        %parallel_loop3A_109 = arith.constant 0 : i32
        %parallel_loop3A_110 = arith.cmpi slt, %parallel_loop3A_103, %parallel_loop3A_109 : i32
        %parallel_loop3A_111 = arith.xori %parallel_loop3A_108, %parallel_loop3A_110 : i1
        %parallel_loop3A_112 = arith.andi %parallel_loop3A_111, %parallel_loop3A_106 : i1
        %parallel_loop3A_113 = arith.addi %parallel_loop3A_104, %parallel_loop3A_103 : i32
        %parallel_loop3A_114 = arith.select %parallel_loop3A_112, %parallel_loop3A_113, %parallel_loop3A_104 : i32
        %parallel_loop3A_115 = arith.index_cast %parallel_loop3A_98 : i32 to index
        %parallel_loop3A_116 = arith.index_cast %parallel_loop3A_114 : i32 to index
        %parallel_loop3A_117 = tpu.vector_load %arg9[%parallel_loop3A_115, %parallel_loop3A_116] {strides = array<i32>} : memref<128x256xf32, #tpu.memory_space<vmem>>, vector<16xf32>,
        tpu.vector_store %arg9[%parallel_loop3A_115, %parallel_loop3A_116], %parallel_loop3A_72 {strides = array<i32>} : memref<128x256xf32, #tpu.memory_space<vmem>>, vector<16xf32>,
        %parallel_loop3A_118 = arith.constant 256 : i32
        %parallel_loop3A_119 = vector.broadcast %parallel_loop3A_118 : i32 to vector<16xi32>
        %parallel_loop3A_120 = arith.addi %parallel_loop3A_68, %parallel_loop3A_119 : vector<16xi32>
        %parallel_loop3A_121 = tpu.vector_load_idx %arg7[%parallel_loop3A_120] : memref<512xf32, #tpu.memory_space<vmem>>[vector<16xi32>], vector<16xf32>,
        %parallel_loop3A_122 = arith.constant 256 : i32
        %parallel_loop3A_123 = arith.divsi %parallel_loop3A_66, %parallel_loop3A_122 : i32
        %parallel_loop3A_124 = arith.constant 0 : i32
        %parallel_loop3A_125 = arith.cmpi sgt, %parallel_loop3A_66, %parallel_loop3A_124 : i32
        %parallel_loop3A_126 = arith.extui %parallel_loop3A_125 : i1 to i32
        %parallel_loop3A_127 = arith.constant 0 : i32
        %parallel_loop3A_128 = arith.cmpi slt, %parallel_loop3A_66, %parallel_loop3A_127 : i32
        %parallel_loop3A_129 = arith.extui %parallel_loop3A_128 : i1 to i32
        %parallel_loop3A_130 = arith.subi %parallel_loop3A_126, %parallel_loop3A_129 : i32
        %parallel_loop3A_131 = arith.constant 0 : i32
        %parallel_loop3A_132 = arith.cmpi sgt, %parallel_loop3A_122, %parallel_loop3A_131 : i32
        %parallel_loop3A_133 = arith.extui %parallel_loop3A_132 : i1 to i32
        %parallel_loop3A_134 = arith.constant 0 : i32
        %parallel_loop3A_135 = arith.cmpi slt, %parallel_loop3A_122, %parallel_loop3A_134 : i32
        %parallel_loop3A_136 = arith.extui %parallel_loop3A_135 : i1 to i32
        %parallel_loop3A_137 = arith.subi %parallel_loop3A_133, %parallel_loop3A_136 : i32
        %parallel_loop3A_138 = arith.cmpi ne, %parallel_loop3A_130, %parallel_loop3A_137 : i32
        %parallel_loop3A_139 = arith.remsi %parallel_loop3A_66, %parallel_loop3A_122 : i32
        %parallel_loop3A_140 = arith.constant 0 : i32
        %parallel_loop3A_141 = arith.cmpi ne, %parallel_loop3A_139, %parallel_loop3A_140 : i32
        %parallel_loop3A_142 = arith.andi %parallel_loop3A_138, %parallel_loop3A_141 : i1
        %parallel_loop3A_143 = arith.constant 1 : i32
        %parallel_loop3A_144 = arith.subi %parallel_loop3A_123, %parallel_loop3A_143 : i32
        %parallel_loop3A_145 = arith.select %parallel_loop3A_142, %parallel_loop3A_144, %parallel_loop3A_123 : i32
        %parallel_loop3A_146 = arith.constant 64 : i32
        %parallel_loop3A_147 = arith.addi %parallel_loop3A_146, %parallel_loop3A_145 : i32
        %parallel_loop3A_148 = arith.constant 256 : i32
        %parallel_loop3A_149 = arith.constant 0 : i32
        %parallel_loop3A_150 = arith.cmpi eq, %parallel_loop3A_148, %parallel_loop3A_149 : i32
        %parallel_loop3A_151 = arith.constant 1 : i32
        %parallel_loop3A_152 = arith.select %parallel_loop3A_150, %parallel_loop3A_151, %parallel_loop3A_148 : i32
        %parallel_loop3A_153 = arith.remsi %parallel_loop3A_66, %parallel_loop3A_152 : i32
        %parallel_loop3A_154 = arith.constant 0 : i32
        %parallel_loop3A_155 = arith.cmpi ne, %parallel_loop3A_153, %parallel_loop3A_154 : i32
        %parallel_loop3A_156 = arith.constant 0 : i32
        %parallel_loop3A_157 = arith.cmpi slt, %parallel_loop3A_153, %parallel_loop3A_156 : i32
        %parallel_loop3A_158 = arith.constant 0 : i32
        %parallel_loop3A_159 = arith.cmpi slt, %parallel_loop3A_152, %parallel_loop3A_158 : i32
        %parallel_loop3A_160 = arith.xori %parallel_loop3A_157, %parallel_loop3A_159 : i1
        %parallel_loop3A_161 = arith.andi %parallel_loop3A_160, %parallel_loop3A_155 : i1
        %parallel_loop3A_162 = arith.addi %parallel_loop3A_153, %parallel_loop3A_152 : i32
        %parallel_loop3A_163 = arith.select %parallel_loop3A_161, %parallel_loop3A_162, %parallel_loop3A_153 : i32
        %parallel_loop3A_164 = arith.index_cast %parallel_loop3A_147 : i32 to index
        %parallel_loop3A_165 = arith.index_cast %parallel_loop3A_163 : i32 to index
        %parallel_loop3A_166 = tpu.vector_load %arg9[%parallel_loop3A_164, %parallel_loop3A_165] {strides = array<i32>} : memref<128x256xf32, #tpu.memory_space<vmem>>, vector<16xf32>,
        tpu.vector_store %arg9[%parallel_loop3A_164, %parallel_loop3A_165], %parallel_loop3A_121 {strides = array<i32>} : memref<128x256xf32, #tpu.memory_space<vmem>>, vector<16xf32>,
      } {sc.loop_unroll_factor = 8 : i64, sc.parallel_access}
      %dma_start3A_59 = arith.constant 0 : i32
      %dma_start3A_60 = tpu.memref_slice %arg4[%mul3A_48, %dma_start3A_59] : memref<32768x256xf32, #tpu.memory_space<hbm>> -> memref<128x256xf32, #tpu.memory_space<hbm>>
      %dma_start3A_61 = arith.constant 0 : i32
      %dma_start3A_62 = tpu.memref_slice %arg4[%mul3A_48, %dma_start3A_61] : memref<32768x256xf32, #tpu.memory_space<hbm>> -> memref<128x256xf32, #tpu.memory_space<hbm>>
      tpu.enqueue_dma source(%arg9 : memref<128x256xf32, #tpu.memory_space<vmem>>) target(%dma_start3A_62 : memref<128x256xf32, #tpu.memory_space<hbm>>) target_semaphore(%arg11 : memref<!tpu.dma_semaphore, #tpu.memory_space<semaphore_mem>>)
      %scan3A_63 = arith.constant 0 : i32
      scf.yield %scan3A_63 : i32
    }
    %scan3A_8 = arith.constant 4 : i32
    %mul3A_9 = arith.constant 64 : i32
    %mul3A_10 = arith.muli %mul3A_2, %mul3A_9 : i32
    %dma_wait3A = arith.constant 0 : i32
    %dma_wait3A_11 = tpu.memref_slice %arg4[%mul3A_10, %dma_wait3A] : memref<32768x256xf32, #tpu.memory_space<hbm>> -> memref<128x256xf32, #tpu.memory_space<hbm>>
    %dma_wait3A_12 = arith.constant 0 : i32
    %dma_wait3A_13 = tpu.memref_slice %arg4[%mul3A_10, %dma_wait3A_12] : memref<32768x256xf32, #tpu.memory_space<hbm>> -> memref<128x256xf32, #tpu.memory_space<hbm>>
    tpu.wait_dma2 semaphore(%arg10 : memref<!tpu.dma_semaphore, #tpu.memory_space<semaphore_mem>>) src(%arg8 : memref<128x256xf32, #tpu.memory_space<vmem>>) dst(%dma_wait3A_13 : memref<128x256xf32, #tpu.memory_space<hbm>>)
    %mul3A_14 = arith.constant 64 : i32
    %mul3A_15 = arith.muli %mul3A_2, %mul3A_14 : i32
    %dma_wait3A_16 = arith.constant 0 : i32
    %dma_wait3A_17 = tpu.memref_slice %arg4[%mul3A_15, %dma_wait3A_16] : memref<32768x256xf32, #tpu.memory_space<hbm>> -> memref<128x256xf32, #tpu.memory_space<hbm>>
    %dma_wait3A_18 = arith.constant 0 : i32
    %dma_wait3A_19 = tpu.memref_slice %arg4[%mul3A_15, %dma_wait3A_18] : memref<32768x256xf32, #tpu.memory_space<hbm>> -> memref<128x256xf32, #tpu.memory_space<hbm>>
    tpu.wait_dma2 semaphore(%arg11 : memref<!tpu.dma_semaphore, #tpu.memory_space<semaphore_mem>>) src(%arg9 : memref<128x256xf32, #tpu.memory_space<vmem>>) dst(%dma_wait3A_19 : memref<128x256xf32, #tpu.memory_space<hbm>>)
    return
  }
}

module attributes {stable_mosaic.version = 14 : i64} {
  func.func @_gate_topk_body(%arg0: memref<256x256xf32, #tpu.memory_space<vmem>>, %arg1: memref<1x256xf32, #tpu.memory_space<vmem>>, %arg2: memref<1x256xf32, #tpu.memory_space<vmem>>, %arg3: memref<256x256xf32, #tpu.memory_space<vmem>>, %arg4: memref<256x64xi32, #tpu.memory_space<vmem>>, %arg5: memref<64x256xi32, #tpu.memory_space<vmem>>) attributes {dimension_semantics = [], scalar_prefetch = 0 : i64, scratch_operands = 0 : i64, tpu.core_type = #tpu.core_type<tc>} {
    %get3A = arith.constant 0 : index
    %get3A_0 = arith.constant 0 : index
    %get3A_1 = vector.load %arg2[%get3A, %get3A_0] : memref<1x256xf32, #tpu.memory_space<vmem>>, vector<1x256xf32>
    %reduce_max3A = arith.constant dense<0xFF800000> : vector<1xf32>
    %reduce_max3A_2 = vector.multi_reduction <maximumf>, %get3A_1, %reduce_max3A [1] : vector<1x256xf32> to vector<1xf32>
    %broadcast_in_dim3A = vector.shape_cast %reduce_max3A_2 : vector<1xf32> to vector<1x1xf32>
    %sub3A = vector.broadcast %broadcast_in_dim3A : vector<1x1xf32> to vector<1x256xf32>
    %sub3A_3 = arith.subf %get3A_1, %sub3A : vector<1x256xf32>
    %exp3A = math.exp %sub3A_3 : vector<1x256xf32>
    %reduce_sum3A = arith.constant dense<0.000000e+00> : vector<1xf32>
    %reduce_sum3A_4 = vector.multi_reduction <add>, %exp3A, %reduce_sum3A [1] : vector<1x256xf32> to vector<1xf32>
    %broadcast_in_dim3A_5 = vector.shape_cast %reduce_sum3A_4 : vector<1xf32> to vector<1x1xf32>
    %div3A = vector.broadcast %broadcast_in_dim3A_5 : vector<1x1xf32> to vector<1x256xf32>
    %div3A_6 = arith.divf %exp3A, %div3A : vector<1x256xf32>
    %get3A_7 = arith.constant 0 : index
    %get3A_8 = arith.constant 0 : index
    %get3A_9 = vector.load %arg0[%get3A_7, %get3A_8] : memref<256x256xf32, #tpu.memory_space<vmem>>, vector<256x256xf32>
    %convert_element_type3A = arith.truncf %get3A_9 : vector<256x256xf32> to vector<256x256xbf16>
    %convert_element_type3A_10 = arith.extf %convert_element_type3A : vector<256x256xbf16> to vector<256x256xf32>
    %get3A_11 = arith.constant 0 : index
    %get3A_12 = arith.constant 0 : index
    %get3A_13 = vector.load %arg1[%get3A_11, %get3A_12] : memref<1x256xf32, #tpu.memory_space<vmem>>, vector<1x256xf32>
    %add3A = vector.broadcast %get3A_13 : vector<1x256xf32> to vector<256x256xf32>
    %add3A_14 = arith.addf %convert_element_type3A_10, %add3A : vector<256x256xf32>
    %logistic3A = arith.negf %add3A_14 : vector<256x256xf32>
    %logistic3A_15 = math.exp %logistic3A : vector<256x256xf32>
    %logistic3A_16 = arith.constant 1.000000e+00 : f32
    %logistic3A_17 = vector.broadcast %logistic3A_16 : f32 to vector<256x256xf32>
    %logistic3A_18 = arith.addf %logistic3A_17, %logistic3A_15 : vector<256x256xf32>
    %logistic3A_19 = arith.divf %logistic3A_17, %logistic3A_18 : vector<256x256xf32>
    %mul3A = vector.broadcast %div3A_6 : vector<1x256xf32> to vector<256x256xf32>
    %mul3A_20 = arith.mulf %mul3A, %logistic3A_19 : vector<256x256xf32>
    %swap3A = arith.constant 0 : index
    %swap3A_21 = arith.constant 0 : index
    %swap3A_22 = vector.load %arg3[%swap3A, %swap3A_21] : memref<256x256xf32, #tpu.memory_space<vmem>>, vector<256x256xf32>
    tpu.vector_store %arg3[%swap3A, %swap3A_21], %mul3A_20 {strides = array<i32>} : memref<256x256xf32, #tpu.memory_space<vmem>>, vector<256x256xf32>,
    %iota3A = tpu.iota {dimensions = array<i32: 1>} : vector<256x256xi32>
    %reduce_max3A_23 = arith.constant dense<0xFF800000> : vector<256xf32>
    %reduce_max3A_24 = vector.multi_reduction <maximumf>, %mul3A_20, %reduce_max3A_23 [1] : vector<256x256xf32> to vector<256xf32>
    %broadcast_in_dim3A_25 = vector.shape_cast %reduce_max3A_24 : vector<256xf32> to vector<256x1xf32>
    %eq3A = vector.broadcast %broadcast_in_dim3A_25 : vector<256x1xf32> to vector<256x256xf32>
    %eq3A_26 = arith.cmpf oeq, %mul3A_20, %eq3A : vector<256x256xf32>
    %jit3A = arith.constant 256 : i32
    %broadcast_in_dim3A_27 = vector.broadcast %jit3A : i32 to vector<256x256xi32>
    %select_n3A = arith.select %eq3A_26, %iota3A, %broadcast_in_dim3A_27 : vector<256x256xi1>, vector<256x256xi32>
    %reduce_min3A = arith.constant dense<2147483647> : vector<256xi32>
    %reduce_min3A_28 = vector.multi_reduction <minsi>, %select_n3A, %reduce_min3A [1] : vector<256x256xi32> to vector<256xi32>
    %broadcast_in_dim3A_29 = vector.shape_cast %reduce_min3A_28 : vector<256xi32> to vector<256x1xi32>
    %swap3A_30 = arith.constant 0 : index
    %swap3A_31 = arith.constant 0 : index
    %swap3A_32 = vector.load %arg4[%swap3A_30, %swap3A_31] : memref<256x64xi32, #tpu.memory_space<vmem>>, vector<256x1xi32>
    tpu.vector_store %arg4[%swap3A_30, %swap3A_31], %broadcast_in_dim3A_29 {strides = array<i32>} : memref<256x64xi32, #tpu.memory_space<vmem>>, vector<256x1xi32>,
    %eq3A_33 = vector.broadcast %broadcast_in_dim3A_29 : vector<256x1xi32> to vector<256x256xi32>
    %eq3A_34 = arith.cmpi eq, %iota3A, %eq3A_33 : vector<256x256xi32>
    %jit3A_35 = arith.constant 0xFF800000 : f32
    %broadcast_in_dim3A_36 = vector.broadcast %jit3A_35 : f32 to vector<256x256xf32>
    %select_n3A_37 = arith.select %eq3A_34, %broadcast_in_dim3A_36, %mul3A_20 : vector<256x256xi1>, vector<256x256xf32>
    %reduce_max3A_38 = arith.constant dense<0xFF800000> : vector<256xf32>
    %reduce_max3A_39 = vector.multi_reduction <maximumf>, %select_n3A_37, %reduce_max3A_38 [1] : vector<256x256xf32> to vector<256xf32>
    %broadcast_in_dim3A_40 = vector.shape_cast %reduce_max3A_39 : vector<256xf32> to vector<256x1xf32>
    %eq3A_41 = vector.broadcast %broadcast_in_dim3A_40 : vector<256x1xf32> to vector<256x256xf32>
    %eq3A_42 = arith.cmpf oeq, %select_n3A_37, %eq3A_41 : vector<256x256xf32>
    %jit3A_43 = arith.constant 256 : i32
    %broadcast_in_dim3A_44 = vector.broadcast %jit3A_43 : i32 to vector<256x256xi32>
    %select_n3A_45 = arith.select %eq3A_42, %iota3A, %broadcast_in_dim3A_44 : vector<256x256xi1>, vector<256x256xi32>
    %reduce_min3A_46 = arith.constant dense<2147483647> : vector<256xi32>
    %reduce_min3A_47 = vector.multi_reduction <minsi>, %select_n3A_45, %reduce_min3A_46 [1] : vector<256x256xi32> to vector<256xi32>
    %broadcast_in_dim3A_48 = vector.shape_cast %reduce_min3A_47 : vector<256xi32> to vector<256x1xi32>
    %swap3A_49 = arith.constant 0 : index
    %swap3A_50 = arith.constant 1 : index
    %swap3A_51 = vector.load %arg4[%swap3A_49, %swap3A_50] : memref<256x64xi32, #tpu.memory_space<vmem>>, vector<256x1xi32>
    tpu.vector_store %arg4[%swap3A_49, %swap3A_50], %broadcast_in_dim3A_48 {strides = array<i32>} : memref<256x64xi32, #tpu.memory_space<vmem>>, vector<256x1xi32>,
    %eq3A_52 = vector.broadcast %broadcast_in_dim3A_48 : vector<256x1xi32> to vector<256x256xi32>
    %eq3A_53 = arith.cmpi eq, %iota3A, %eq3A_52 : vector<256x256xi32>
    %jit3A_54 = arith.constant 0xFF800000 : f32
    %broadcast_in_dim3A_55 = vector.broadcast %jit3A_54 : f32 to vector<256x256xf32>
    %select_n3A_56 = arith.select %eq3A_53, %broadcast_in_dim3A_55, %select_n3A_37 : vector<256x256xi1>, vector<256x256xf32>
    %reduce_max3A_57 = arith.constant dense<0xFF800000> : vector<256xf32>
    %reduce_max3A_58 = vector.multi_reduction <maximumf>, %select_n3A_56, %reduce_max3A_57 [1] : vector<256x256xf32> to vector<256xf32>
    %broadcast_in_dim3A_59 = vector.shape_cast %reduce_max3A_58 : vector<256xf32> to vector<256x1xf32>
    %eq3A_60 = vector.broadcast %broadcast_in_dim3A_59 : vector<256x1xf32> to vector<256x256xf32>
    %eq3A_61 = arith.cmpf oeq, %select_n3A_56, %eq3A_60 : vector<256x256xf32>
    %jit3A_62 = arith.constant 256 : i32
    %broadcast_in_dim3A_63 = vector.broadcast %jit3A_62 : i32 to vector<256x256xi32>
    %select_n3A_64 = arith.select %eq3A_61, %iota3A, %broadcast_in_dim3A_63 : vector<256x256xi1>, vector<256x256xi32>
    %reduce_min3A_65 = arith.constant dense<2147483647> : vector<256xi32>
    %reduce_min3A_66 = vector.multi_reduction <minsi>, %select_n3A_64, %reduce_min3A_65 [1] : vector<256x256xi32> to vector<256xi32>
    %broadcast_in_dim3A_67 = vector.shape_cast %reduce_min3A_66 : vector<256xi32> to vector<256x1xi32>
    %swap3A_68 = arith.constant 0 : index
    %swap3A_69 = arith.constant 2 : index
    %swap3A_70 = vector.load %arg4[%swap3A_68, %swap3A_69] : memref<256x64xi32, #tpu.memory_space<vmem>>, vector<256x1xi32>
    tpu.vector_store %arg4[%swap3A_68, %swap3A_69], %broadcast_in_dim3A_67 {strides = array<i32>} : memref<256x64xi32, #tpu.memory_space<vmem>>, vector<256x1xi32>,
    %eq3A_71 = vector.broadcast %broadcast_in_dim3A_67 : vector<256x1xi32> to vector<256x256xi32>
    %eq3A_72 = arith.cmpi eq, %iota3A, %eq3A_71 : vector<256x256xi32>
    %jit3A_73 = arith.constant 0xFF800000 : f32
    %broadcast_in_dim3A_74 = vector.broadcast %jit3A_73 : f32 to vector<256x256xf32>
    %select_n3A_75 = arith.select %eq3A_72, %broadcast_in_dim3A_74, %select_n3A_56 : vector<256x256xi1>, vector<256x256xf32>
    %reduce_max3A_76 = arith.constant dense<0xFF800000> : vector<256xf32>
    %reduce_max3A_77 = vector.multi_reduction <maximumf>, %select_n3A_75, %reduce_max3A_76 [1] : vector<256x256xf32> to vector<256xf32>
    %broadcast_in_dim3A_78 = vector.shape_cast %reduce_max3A_77 : vector<256xf32> to vector<256x1xf32>
    %eq3A_79 = vector.broadcast %broadcast_in_dim3A_78 : vector<256x1xf32> to vector<256x256xf32>
    %eq3A_80 = arith.cmpf oeq, %select_n3A_75, %eq3A_79 : vector<256x256xf32>
    %jit3A_81 = arith.constant 256 : i32
    %broadcast_in_dim3A_82 = vector.broadcast %jit3A_81 : i32 to vector<256x256xi32>
    %select_n3A_83 = arith.select %eq3A_80, %iota3A, %broadcast_in_dim3A_82 : vector<256x256xi1>, vector<256x256xi32>
    %reduce_min3A_84 = arith.constant dense<2147483647> : vector<256xi32>
    %reduce_min3A_85 = vector.multi_reduction <minsi>, %select_n3A_83, %reduce_min3A_84 [1] : vector<256x256xi32> to vector<256xi32>
    %broadcast_in_dim3A_86 = vector.shape_cast %reduce_min3A_85 : vector<256xi32> to vector<256x1xi32>
    %swap3A_87 = arith.constant 0 : index
    %swap3A_88 = arith.constant 3 : index
    %swap3A_89 = vector.load %arg4[%swap3A_87, %swap3A_88] : memref<256x64xi32, #tpu.memory_space<vmem>>, vector<256x1xi32>
    tpu.vector_store %arg4[%swap3A_87, %swap3A_88], %broadcast_in_dim3A_86 {strides = array<i32>} : memref<256x64xi32, #tpu.memory_space<vmem>>, vector<256x1xi32>,
    %eq3A_90 = vector.broadcast %broadcast_in_dim3A_86 : vector<256x1xi32> to vector<256x256xi32>
    %eq3A_91 = arith.cmpi eq, %iota3A, %eq3A_90 : vector<256x256xi32>
    %jit3A_92 = arith.constant 0xFF800000 : f32
    %broadcast_in_dim3A_93 = vector.broadcast %jit3A_92 : f32 to vector<256x256xf32>
    %select_n3A_94 = arith.select %eq3A_91, %broadcast_in_dim3A_93, %select_n3A_75 : vector<256x256xi1>, vector<256x256xf32>
    %reduce_max3A_95 = arith.constant dense<0xFF800000> : vector<256xf32>
    %reduce_max3A_96 = vector.multi_reduction <maximumf>, %select_n3A_94, %reduce_max3A_95 [1] : vector<256x256xf32> to vector<256xf32>
    %broadcast_in_dim3A_97 = vector.shape_cast %reduce_max3A_96 : vector<256xf32> to vector<256x1xf32>
    %eq3A_98 = vector.broadcast %broadcast_in_dim3A_97 : vector<256x1xf32> to vector<256x256xf32>
    %eq3A_99 = arith.cmpf oeq, %select_n3A_94, %eq3A_98 : vector<256x256xf32>
    %jit3A_100 = arith.constant 256 : i32
    %broadcast_in_dim3A_101 = vector.broadcast %jit3A_100 : i32 to vector<256x256xi32>
    %select_n3A_102 = arith.select %eq3A_99, %iota3A, %broadcast_in_dim3A_101 : vector<256x256xi1>, vector<256x256xi32>
    %reduce_min3A_103 = arith.constant dense<2147483647> : vector<256xi32>
    %reduce_min3A_104 = vector.multi_reduction <minsi>, %select_n3A_102, %reduce_min3A_103 [1] : vector<256x256xi32> to vector<256xi32>
    %broadcast_in_dim3A_105 = vector.shape_cast %reduce_min3A_104 : vector<256xi32> to vector<256x1xi32>
    %swap3A_106 = arith.constant 0 : index
    %swap3A_107 = arith.constant 4 : index
    %swap3A_108 = vector.load %arg4[%swap3A_106, %swap3A_107] : memref<256x64xi32, #tpu.memory_space<vmem>>, vector<256x1xi32>
    tpu.vector_store %arg4[%swap3A_106, %swap3A_107], %broadcast_in_dim3A_105 {strides = array<i32>} : memref<256x64xi32, #tpu.memory_space<vmem>>, vector<256x1xi32>,
    %eq3A_109 = vector.broadcast %broadcast_in_dim3A_105 : vector<256x1xi32> to vector<256x256xi32>
    %eq3A_110 = arith.cmpi eq, %iota3A, %eq3A_109 : vector<256x256xi32>
    %jit3A_111 = arith.constant 0xFF800000 : f32
    %broadcast_in_dim3A_112 = vector.broadcast %jit3A_111 : f32 to vector<256x256xf32>
    %select_n3A_113 = arith.select %eq3A_110, %broadcast_in_dim3A_112, %select_n3A_94 : vector<256x256xi1>, vector<256x256xf32>
    %reduce_max3A_114 = arith.constant dense<0xFF800000> : vector<256xf32>
    %reduce_max3A_115 = vector.multi_reduction <maximumf>, %select_n3A_113, %reduce_max3A_114 [1] : vector<256x256xf32> to vector<256xf32>
    %broadcast_in_dim3A_116 = vector.shape_cast %reduce_max3A_115 : vector<256xf32> to vector<256x1xf32>
    %eq3A_117 = vector.broadcast %broadcast_in_dim3A_116 : vector<256x1xf32> to vector<256x256xf32>
    %eq3A_118 = arith.cmpf oeq, %select_n3A_113, %eq3A_117 : vector<256x256xf32>
    %jit3A_119 = arith.constant 256 : i32
    %broadcast_in_dim3A_120 = vector.broadcast %jit3A_119 : i32 to vector<256x256xi32>
    %select_n3A_121 = arith.select %eq3A_118, %iota3A, %broadcast_in_dim3A_120 : vector<256x256xi1>, vector<256x256xi32>
    %reduce_min3A_122 = arith.constant dense<2147483647> : vector<256xi32>
    %reduce_min3A_123 = vector.multi_reduction <minsi>, %select_n3A_121, %reduce_min3A_122 [1] : vector<256x256xi32> to vector<256xi32>
    %broadcast_in_dim3A_124 = vector.shape_cast %reduce_min3A_123 : vector<256xi32> to vector<256x1xi32>
    %swap3A_125 = arith.constant 0 : index
    %swap3A_126 = arith.constant 5 : index
    %swap3A_127 = vector.load %arg4[%swap3A_125, %swap3A_126] : memref<256x64xi32, #tpu.memory_space<vmem>>, vector<256x1xi32>
    tpu.vector_store %arg4[%swap3A_125, %swap3A_126], %broadcast_in_dim3A_124 {strides = array<i32>} : memref<256x64xi32, #tpu.memory_space<vmem>>, vector<256x1xi32>,
    %eq3A_128 = vector.broadcast %broadcast_in_dim3A_124 : vector<256x1xi32> to vector<256x256xi32>
    %eq3A_129 = arith.cmpi eq, %iota3A, %eq3A_128 : vector<256x256xi32>
    %jit3A_130 = arith.constant 0xFF800000 : f32
    %broadcast_in_dim3A_131 = vector.broadcast %jit3A_130 : f32 to vector<256x256xf32>
    %select_n3A_132 = arith.select %eq3A_129, %broadcast_in_dim3A_131, %select_n3A_113 : vector<256x256xi1>, vector<256x256xf32>
    %reduce_max3A_133 = arith.constant dense<0xFF800000> : vector<256xf32>
    %reduce_max3A_134 = vector.multi_reduction <maximumf>, %select_n3A_132, %reduce_max3A_133 [1] : vector<256x256xf32> to vector<256xf32>
    %broadcast_in_dim3A_135 = vector.shape_cast %reduce_max3A_134 : vector<256xf32> to vector<256x1xf32>
    %eq3A_136 = vector.broadcast %broadcast_in_dim3A_135 : vector<256x1xf32> to vector<256x256xf32>
    %eq3A_137 = arith.cmpf oeq, %select_n3A_132, %eq3A_136 : vector<256x256xf32>
    %jit3A_138 = arith.constant 256 : i32
    %broadcast_in_dim3A_139 = vector.broadcast %jit3A_138 : i32 to vector<256x256xi32>
    %select_n3A_140 = arith.select %eq3A_137, %iota3A, %broadcast_in_dim3A_139 : vector<256x256xi1>, vector<256x256xi32>
    %reduce_min3A_141 = arith.constant dense<2147483647> : vector<256xi32>
    %reduce_min3A_142 = vector.multi_reduction <minsi>, %select_n3A_140, %reduce_min3A_141 [1] : vector<256x256xi32> to vector<256xi32>
    %broadcast_in_dim3A_143 = vector.shape_cast %reduce_min3A_142 : vector<256xi32> to vector<256x1xi32>
    %swap3A_144 = arith.constant 0 : index
    %swap3A_145 = arith.constant 6 : index
    %swap3A_146 = vector.load %arg4[%swap3A_144, %swap3A_145] : memref<256x64xi32, #tpu.memory_space<vmem>>, vector<256x1xi32>
    tpu.vector_store %arg4[%swap3A_144, %swap3A_145], %broadcast_in_dim3A_143 {strides = array<i32>} : memref<256x64xi32, #tpu.memory_space<vmem>>, vector<256x1xi32>,
    %eq3A_147 = vector.broadcast %broadcast_in_dim3A_143 : vector<256x1xi32> to vector<256x256xi32>
    %eq3A_148 = arith.cmpi eq, %iota3A, %eq3A_147 : vector<256x256xi32>
    %jit3A_149 = arith.constant 0xFF800000 : f32
    %broadcast_in_dim3A_150 = vector.broadcast %jit3A_149 : f32 to vector<256x256xf32>
    %select_n3A_151 = arith.select %eq3A_148, %broadcast_in_dim3A_150, %select_n3A_132 : vector<256x256xi1>, vector<256x256xf32>
    %reduce_max3A_152 = arith.constant dense<0xFF800000> : vector<256xf32>
    %reduce_max3A_153 = vector.multi_reduction <maximumf>, %select_n3A_151, %reduce_max3A_152 [1] : vector<256x256xf32> to vector<256xf32>
    %broadcast_in_dim3A_154 = vector.shape_cast %reduce_max3A_153 : vector<256xf32> to vector<256x1xf32>
    %eq3A_155 = vector.broadcast %broadcast_in_dim3A_154 : vector<256x1xf32> to vector<256x256xf32>
    %eq3A_156 = arith.cmpf oeq, %select_n3A_151, %eq3A_155 : vector<256x256xf32>
    %jit3A_157 = arith.constant 256 : i32
    %broadcast_in_dim3A_158 = vector.broadcast %jit3A_157 : i32 to vector<256x256xi32>
    %select_n3A_159 = arith.select %eq3A_156, %iota3A, %broadcast_in_dim3A_158 : vector<256x256xi1>, vector<256x256xi32>
    %reduce_min3A_160 = arith.constant dense<2147483647> : vector<256xi32>
    %reduce_min3A_161 = vector.multi_reduction <minsi>, %select_n3A_159, %reduce_min3A_160 [1] : vector<256x256xi32> to vector<256xi32>
    %broadcast_in_dim3A_162 = vector.shape_cast %reduce_min3A_161 : vector<256xi32> to vector<256x1xi32>
    %swap3A_163 = arith.constant 0 : index
    %swap3A_164 = arith.constant 7 : index
    %swap3A_165 = vector.load %arg4[%swap3A_163, %swap3A_164] : memref<256x64xi32, #tpu.memory_space<vmem>>, vector<256x1xi32>
    tpu.vector_store %arg4[%swap3A_163, %swap3A_164], %broadcast_in_dim3A_162 {strides = array<i32>} : memref<256x64xi32, #tpu.memory_space<vmem>>, vector<256x1xi32>,
    %eq3A_166 = vector.broadcast %broadcast_in_dim3A_162 : vector<256x1xi32> to vector<256x256xi32>
    %eq3A_167 = arith.cmpi eq, %iota3A, %eq3A_166 : vector<256x256xi32>
    %jit3A_168 = arith.constant 0xFF800000 : f32
    %broadcast_in_dim3A_169 = vector.broadcast %jit3A_168 : f32 to vector<256x256xf32>
    %select_n3A_170 = arith.select %eq3A_167, %broadcast_in_dim3A_169, %select_n3A_151 : vector<256x256xi1>, vector<256x256xf32>
    %reduce_max3A_171 = arith.constant dense<0xFF800000> : vector<256xf32>
    %reduce_max3A_172 = vector.multi_reduction <maximumf>, %select_n3A_170, %reduce_max3A_171 [1] : vector<256x256xf32> to vector<256xf32>
    %broadcast_in_dim3A_173 = vector.shape_cast %reduce_max3A_172 : vector<256xf32> to vector<256x1xf32>
    %eq3A_174 = vector.broadcast %broadcast_in_dim3A_173 : vector<256x1xf32> to vector<256x256xf32>
    %eq3A_175 = arith.cmpf oeq, %select_n3A_170, %eq3A_174 : vector<256x256xf32>
    %jit3A_176 = arith.constant 256 : i32
    %broadcast_in_dim3A_177 = vector.broadcast %jit3A_176 : i32 to vector<256x256xi32>
    %select_n3A_178 = arith.select %eq3A_175, %iota3A, %broadcast_in_dim3A_177 : vector<256x256xi1>, vector<256x256xi32>
    %reduce_min3A_179 = arith.constant dense<2147483647> : vector<256xi32>
    %reduce_min3A_180 = vector.multi_reduction <minsi>, %select_n3A_178, %reduce_min3A_179 [1] : vector<256x256xi32> to vector<256xi32>
    %broadcast_in_dim3A_181 = vector.shape_cast %reduce_min3A_180 : vector<256xi32> to vector<256x1xi32>
    %swap3A_182 = arith.constant 0 : index
    %swap3A_183 = arith.constant 8 : index
    %swap3A_184 = vector.load %arg4[%swap3A_182, %swap3A_183] : memref<256x64xi32, #tpu.memory_space<vmem>>, vector<256x1xi32>
    tpu.vector_store %arg4[%swap3A_182, %swap3A_183], %broadcast_in_dim3A_181 {strides = array<i32>} : memref<256x64xi32, #tpu.memory_space<vmem>>, vector<256x1xi32>,
    %eq3A_185 = vector.broadcast %broadcast_in_dim3A_181 : vector<256x1xi32> to vector<256x256xi32>
    %eq3A_186 = arith.cmpi eq, %iota3A, %eq3A_185 : vector<256x256xi32>
    %jit3A_187 = arith.constant 0xFF800000 : f32
    %broadcast_in_dim3A_188 = vector.broadcast %jit3A_187 : f32 to vector<256x256xf32>
    %select_n3A_189 = arith.select %eq3A_186, %broadcast_in_dim3A_188, %select_n3A_170 : vector<256x256xi1>, vector<256x256xf32>
    %reduce_max3A_190 = arith.constant dense<0xFF800000> : vector<256xf32>
    %reduce_max3A_191 = vector.multi_reduction <maximumf>, %select_n3A_189, %reduce_max3A_190 [1] : vector<256x256xf32> to vector<256xf32>
    %broadcast_in_dim3A_192 = vector.shape_cast %reduce_max3A_191 : vector<256xf32> to vector<256x1xf32>
    %eq3A_193 = vector.broadcast %broadcast_in_dim3A_192 : vector<256x1xf32> to vector<256x256xf32>
    %eq3A_194 = arith.cmpf oeq, %select_n3A_189, %eq3A_193 : vector<256x256xf32>
    %jit3A_195 = arith.constant 256 : i32
    %broadcast_in_dim3A_196 = vector.broadcast %jit3A_195 : i32 to vector<256x256xi32>
    %select_n3A_197 = arith.select %eq3A_194, %iota3A, %broadcast_in_dim3A_196 : vector<256x256xi1>, vector<256x256xi32>
    %reduce_min3A_198 = arith.constant dense<2147483647> : vector<256xi32>
    %reduce_min3A_199 = vector.multi_reduction <minsi>, %select_n3A_197, %reduce_min3A_198 [1] : vector<256x256xi32> to vector<256xi32>
    %broadcast_in_dim3A_200 = vector.shape_cast %reduce_min3A_199 : vector<256xi32> to vector<256x1xi32>
    %swap3A_201 = arith.constant 0 : index
    %swap3A_202 = arith.constant 9 : index
    %swap3A_203 = vector.load %arg4[%swap3A_201, %swap3A_202] : memref<256x64xi32, #tpu.memory_space<vmem>>, vector<256x1xi32>
    tpu.vector_store %arg4[%swap3A_201, %swap3A_202], %broadcast_in_dim3A_200 {strides = array<i32>} : memref<256x64xi32, #tpu.memory_space<vmem>>, vector<256x1xi32>,
    %eq3A_204 = vector.broadcast %broadcast_in_dim3A_200 : vector<256x1xi32> to vector<256x256xi32>
    %eq3A_205 = arith.cmpi eq, %iota3A, %eq3A_204 : vector<256x256xi32>
    %jit3A_206 = arith.constant 0xFF800000 : f32
    %broadcast_in_dim3A_207 = vector.broadcast %jit3A_206 : f32 to vector<256x256xf32>
    %select_n3A_208 = arith.select %eq3A_205, %broadcast_in_dim3A_207, %select_n3A_189 : vector<256x256xi1>, vector<256x256xf32>
    %reduce_max3A_209 = arith.constant dense<0xFF800000> : vector<256xf32>
    %reduce_max3A_210 = vector.multi_reduction <maximumf>, %select_n3A_208, %reduce_max3A_209 [1] : vector<256x256xf32> to vector<256xf32>
    %broadcast_in_dim3A_211 = vector.shape_cast %reduce_max3A_210 : vector<256xf32> to vector<256x1xf32>
    %eq3A_212 = vector.broadcast %broadcast_in_dim3A_211 : vector<256x1xf32> to vector<256x256xf32>
    %eq3A_213 = arith.cmpf oeq, %select_n3A_208, %eq3A_212 : vector<256x256xf32>
    %jit3A_214 = arith.constant 256 : i32
    %broadcast_in_dim3A_215 = vector.broadcast %jit3A_214 : i32 to vector<256x256xi32>
    %select_n3A_216 = arith.select %eq3A_213, %iota3A, %broadcast_in_dim3A_215 : vector<256x256xi1>, vector<256x256xi32>
    %reduce_min3A_217 = arith.constant dense<2147483647> : vector<256xi32>
    %reduce_min3A_218 = vector.multi_reduction <minsi>, %select_n3A_216, %reduce_min3A_217 [1] : vector<256x256xi32> to vector<256xi32>
    %broadcast_in_dim3A_219 = vector.shape_cast %reduce_min3A_218 : vector<256xi32> to vector<256x1xi32>
    %swap3A_220 = arith.constant 0 : index
    %swap3A_221 = arith.constant 10 : index
    %swap3A_222 = vector.load %arg4[%swap3A_220, %swap3A_221] : memref<256x64xi32, #tpu.memory_space<vmem>>, vector<256x1xi32>
    tpu.vector_store %arg4[%swap3A_220, %swap3A_221], %broadcast_in_dim3A_219 {strides = array<i32>} : memref<256x64xi32, #tpu.memory_space<vmem>>, vector<256x1xi32>,
    %eq3A_223 = vector.broadcast %broadcast_in_dim3A_219 : vector<256x1xi32> to vector<256x256xi32>
    %eq3A_224 = arith.cmpi eq, %iota3A, %eq3A_223 : vector<256x256xi32>
    %jit3A_225 = arith.constant 0xFF800000 : f32
    %broadcast_in_dim3A_226 = vector.broadcast %jit3A_225 : f32 to vector<256x256xf32>
    %select_n3A_227 = arith.select %eq3A_224, %broadcast_in_dim3A_226, %select_n3A_208 : vector<256x256xi1>, vector<256x256xf32>
    %reduce_max3A_228 = arith.constant dense<0xFF800000> : vector<256xf32>
    %reduce_max3A_229 = vector.multi_reduction <maximumf>, %select_n3A_227, %reduce_max3A_228 [1] : vector<256x256xf32> to vector<256xf32>
    %broadcast_in_dim3A_230 = vector.shape_cast %reduce_max3A_229 : vector<256xf32> to vector<256x1xf32>
    %eq3A_231 = vector.broadcast %broadcast_in_dim3A_230 : vector<256x1xf32> to vector<256x256xf32>
    %eq3A_232 = arith.cmpf oeq, %select_n3A_227, %eq3A_231 : vector<256x256xf32>
    %jit3A_233 = arith.constant 256 : i32
    %broadcast_in_dim3A_234 = vector.broadcast %jit3A_233 : i32 to vector<256x256xi32>
    %select_n3A_235 = arith.select %eq3A_232, %iota3A, %broadcast_in_dim3A_234 : vector<256x256xi1>, vector<256x256xi32>
    %reduce_min3A_236 = arith.constant dense<2147483647> : vector<256xi32>
    %reduce_min3A_237 = vector.multi_reduction <minsi>, %select_n3A_235, %reduce_min3A_236 [1] : vector<256x256xi32> to vector<256xi32>
    %broadcast_in_dim3A_238 = vector.shape_cast %reduce_min3A_237 : vector<256xi32> to vector<256x1xi32>
    %swap3A_239 = arith.constant 0 : index
    %swap3A_240 = arith.constant 11 : index
    %swap3A_241 = vector.load %arg4[%swap3A_239, %swap3A_240] : memref<256x64xi32, #tpu.memory_space<vmem>>, vector<256x1xi32>
    tpu.vector_store %arg4[%swap3A_239, %swap3A_240], %broadcast_in_dim3A_238 {strides = array<i32>} : memref<256x64xi32, #tpu.memory_space<vmem>>, vector<256x1xi32>,
    %eq3A_242 = vector.broadcast %broadcast_in_dim3A_238 : vector<256x1xi32> to vector<256x256xi32>
    %eq3A_243 = arith.cmpi eq, %iota3A, %eq3A_242 : vector<256x256xi32>
    %jit3A_244 = arith.constant 0xFF800000 : f32
    %broadcast_in_dim3A_245 = vector.broadcast %jit3A_244 : f32 to vector<256x256xf32>
    %select_n3A_246 = arith.select %eq3A_243, %broadcast_in_dim3A_245, %select_n3A_227 : vector<256x256xi1>, vector<256x256xf32>
    %reduce_max3A_247 = arith.constant dense<0xFF800000> : vector<256xf32>
    %reduce_max3A_248 = vector.multi_reduction <maximumf>, %select_n3A_246, %reduce_max3A_247 [1] : vector<256x256xf32> to vector<256xf32>
    %broadcast_in_dim3A_249 = vector.shape_cast %reduce_max3A_248 : vector<256xf32> to vector<256x1xf32>
    %eq3A_250 = vector.broadcast %broadcast_in_dim3A_249 : vector<256x1xf32> to vector<256x256xf32>
    %eq3A_251 = arith.cmpf oeq, %select_n3A_246, %eq3A_250 : vector<256x256xf32>
    %jit3A_252 = arith.constant 256 : i32
    %broadcast_in_dim3A_253 = vector.broadcast %jit3A_252 : i32 to vector<256x256xi32>
    %select_n3A_254 = arith.select %eq3A_251, %iota3A, %broadcast_in_dim3A_253 : vector<256x256xi1>, vector<256x256xi32>
    %reduce_min3A_255 = arith.constant dense<2147483647> : vector<256xi32>
    %reduce_min3A_256 = vector.multi_reduction <minsi>, %select_n3A_254, %reduce_min3A_255 [1] : vector<256x256xi32> to vector<256xi32>
    %broadcast_in_dim3A_257 = vector.shape_cast %reduce_min3A_256 : vector<256xi32> to vector<256x1xi32>
    %swap3A_258 = arith.constant 0 : index
    %swap3A_259 = arith.constant 12 : index
    %swap3A_260 = vector.load %arg4[%swap3A_258, %swap3A_259] : memref<256x64xi32, #tpu.memory_space<vmem>>, vector<256x1xi32>
    tpu.vector_store %arg4[%swap3A_258, %swap3A_259], %broadcast_in_dim3A_257 {strides = array<i32>} : memref<256x64xi32, #tpu.memory_space<vmem>>, vector<256x1xi32>,
    %eq3A_261 = vector.broadcast %broadcast_in_dim3A_257 : vector<256x1xi32> to vector<256x256xi32>
    %eq3A_262 = arith.cmpi eq, %iota3A, %eq3A_261 : vector<256x256xi32>
    %jit3A_263 = arith.constant 0xFF800000 : f32
    %broadcast_in_dim3A_264 = vector.broadcast %jit3A_263 : f32 to vector<256x256xf32>
    %select_n3A_265 = arith.select %eq3A_262, %broadcast_in_dim3A_264, %select_n3A_246 : vector<256x256xi1>, vector<256x256xf32>
    %reduce_max3A_266 = arith.constant dense<0xFF800000> : vector<256xf32>
    %reduce_max3A_267 = vector.multi_reduction <maximumf>, %select_n3A_265, %reduce_max3A_266 [1] : vector<256x256xf32> to vector<256xf32>
    %broadcast_in_dim3A_268 = vector.shape_cast %reduce_max3A_267 : vector<256xf32> to vector<256x1xf32>
    %eq3A_269 = vector.broadcast %broadcast_in_dim3A_268 : vector<256x1xf32> to vector<256x256xf32>
    %eq3A_270 = arith.cmpf oeq, %select_n3A_265, %eq3A_269 : vector<256x256xf32>
    %jit3A_271 = arith.constant 256 : i32
    %broadcast_in_dim3A_272 = vector.broadcast %jit3A_271 : i32 to vector<256x256xi32>
    %select_n3A_273 = arith.select %eq3A_270, %iota3A, %broadcast_in_dim3A_272 : vector<256x256xi1>, vector<256x256xi32>
    %reduce_min3A_274 = arith.constant dense<2147483647> : vector<256xi32>
    %reduce_min3A_275 = vector.multi_reduction <minsi>, %select_n3A_273, %reduce_min3A_274 [1] : vector<256x256xi32> to vector<256xi32>
    %broadcast_in_dim3A_276 = vector.shape_cast %reduce_min3A_275 : vector<256xi32> to vector<256x1xi32>
    %swap3A_277 = arith.constant 0 : index
    %swap3A_278 = arith.constant 13 : index
    %swap3A_279 = vector.load %arg4[%swap3A_277, %swap3A_278] : memref<256x64xi32, #tpu.memory_space<vmem>>, vector<256x1xi32>
    tpu.vector_store %arg4[%swap3A_277, %swap3A_278], %broadcast_in_dim3A_276 {strides = array<i32>} : memref<256x64xi32, #tpu.memory_space<vmem>>, vector<256x1xi32>,
    %eq3A_280 = vector.broadcast %broadcast_in_dim3A_276 : vector<256x1xi32> to vector<256x256xi32>
    %eq3A_281 = arith.cmpi eq, %iota3A, %eq3A_280 : vector<256x256xi32>
    %jit3A_282 = arith.constant 0xFF800000 : f32
    %broadcast_in_dim3A_283 = vector.broadcast %jit3A_282 : f32 to vector<256x256xf32>
    %select_n3A_284 = arith.select %eq3A_281, %broadcast_in_dim3A_283, %select_n3A_265 : vector<256x256xi1>, vector<256x256xf32>
    %reduce_max3A_285 = arith.constant dense<0xFF800000> : vector<256xf32>
    %reduce_max3A_286 = vector.multi_reduction <maximumf>, %select_n3A_284, %reduce_max3A_285 [1] : vector<256x256xf32> to vector<256xf32>
    %broadcast_in_dim3A_287 = vector.shape_cast %reduce_max3A_286 : vector<256xf32> to vector<256x1xf32>
    %eq3A_288 = vector.broadcast %broadcast_in_dim3A_287 : vector<256x1xf32> to vector<256x256xf32>
    %eq3A_289 = arith.cmpf oeq, %select_n3A_284, %eq3A_288 : vector<256x256xf32>
    %jit3A_290 = arith.constant 256 : i32
    %broadcast_in_dim3A_291 = vector.broadcast %jit3A_290 : i32 to vector<256x256xi32>
    %select_n3A_292 = arith.select %eq3A_289, %iota3A, %broadcast_in_dim3A_291 : vector<256x256xi1>, vector<256x256xi32>
    %reduce_min3A_293 = arith.constant dense<2147483647> : vector<256xi32>
    %reduce_min3A_294 = vector.multi_reduction <minsi>, %select_n3A_292, %reduce_min3A_293 [1] : vector<256x256xi32> to vector<256xi32>
    %broadcast_in_dim3A_295 = vector.shape_cast %reduce_min3A_294 : vector<256xi32> to vector<256x1xi32>
    %swap3A_296 = arith.constant 0 : index
    %swap3A_297 = arith.constant 14 : index
    %swap3A_298 = vector.load %arg4[%swap3A_296, %swap3A_297] : memref<256x64xi32, #tpu.memory_space<vmem>>, vector<256x1xi32>
    tpu.vector_store %arg4[%swap3A_296, %swap3A_297], %broadcast_in_dim3A_295 {strides = array<i32>} : memref<256x64xi32, #tpu.memory_space<vmem>>, vector<256x1xi32>,
    %eq3A_299 = vector.broadcast %broadcast_in_dim3A_295 : vector<256x1xi32> to vector<256x256xi32>
    %eq3A_300 = arith.cmpi eq, %iota3A, %eq3A_299 : vector<256x256xi32>
    %jit3A_301 = arith.constant 0xFF800000 : f32
    %broadcast_in_dim3A_302 = vector.broadcast %jit3A_301 : f32 to vector<256x256xf32>
    %select_n3A_303 = arith.select %eq3A_300, %broadcast_in_dim3A_302, %select_n3A_284 : vector<256x256xi1>, vector<256x256xf32>
    %reduce_max3A_304 = arith.constant dense<0xFF800000> : vector<256xf32>
    %reduce_max3A_305 = vector.multi_reduction <maximumf>, %select_n3A_303, %reduce_max3A_304 [1] : vector<256x256xf32> to vector<256xf32>
    %broadcast_in_dim3A_306 = vector.shape_cast %reduce_max3A_305 : vector<256xf32> to vector<256x1xf32>
    %eq3A_307 = vector.broadcast %broadcast_in_dim3A_306 : vector<256x1xf32> to vector<256x256xf32>
    %eq3A_308 = arith.cmpf oeq, %select_n3A_303, %eq3A_307 : vector<256x256xf32>
    %jit3A_309 = arith.constant 256 : i32
    %broadcast_in_dim3A_310 = vector.broadcast %jit3A_309 : i32 to vector<256x256xi32>
    %select_n3A_311 = arith.select %eq3A_308, %iota3A, %broadcast_in_dim3A_310 : vector<256x256xi1>, vector<256x256xi32>
    %reduce_min3A_312 = arith.constant dense<2147483647> : vector<256xi32>
    %reduce_min3A_313 = vector.multi_reduction <minsi>, %select_n3A_311, %reduce_min3A_312 [1] : vector<256x256xi32> to vector<256xi32>
    %broadcast_in_dim3A_314 = vector.shape_cast %reduce_min3A_313 : vector<256xi32> to vector<256x1xi32>
    %swap3A_315 = arith.constant 0 : index
    %swap3A_316 = arith.constant 15 : index
    %swap3A_317 = vector.load %arg4[%swap3A_315, %swap3A_316] : memref<256x64xi32, #tpu.memory_space<vmem>>, vector<256x1xi32>
    tpu.vector_store %arg4[%swap3A_315, %swap3A_316], %broadcast_in_dim3A_314 {strides = array<i32>} : memref<256x64xi32, #tpu.memory_space<vmem>>, vector<256x1xi32>,
    %eq3A_318 = vector.broadcast %broadcast_in_dim3A_314 : vector<256x1xi32> to vector<256x256xi32>
    %eq3A_319 = arith.cmpi eq, %iota3A, %eq3A_318 : vector<256x256xi32>
    %jit3A_320 = arith.constant 0xFF800000 : f32
    %broadcast_in_dim3A_321 = vector.broadcast %jit3A_320 : f32 to vector<256x256xf32>
    %select_n3A_322 = arith.select %eq3A_319, %broadcast_in_dim3A_321, %select_n3A_303 : vector<256x256xi1>, vector<256x256xf32>
    %reduce_max3A_323 = arith.constant dense<0xFF800000> : vector<256xf32>
    %reduce_max3A_324 = vector.multi_reduction <maximumf>, %select_n3A_322, %reduce_max3A_323 [1] : vector<256x256xf32> to vector<256xf32>
    %broadcast_in_dim3A_325 = vector.shape_cast %reduce_max3A_324 : vector<256xf32> to vector<256x1xf32>
    %eq3A_326 = vector.broadcast %broadcast_in_dim3A_325 : vector<256x1xf32> to vector<256x256xf32>
    %eq3A_327 = arith.cmpf oeq, %select_n3A_322, %eq3A_326 : vector<256x256xf32>
    %jit3A_328 = arith.constant 256 : i32
    %broadcast_in_dim3A_329 = vector.broadcast %jit3A_328 : i32 to vector<256x256xi32>
    %select_n3A_330 = arith.select %eq3A_327, %iota3A, %broadcast_in_dim3A_329 : vector<256x256xi1>, vector<256x256xi32>
    %reduce_min3A_331 = arith.constant dense<2147483647> : vector<256xi32>
    %reduce_min3A_332 = vector.multi_reduction <minsi>, %select_n3A_330, %reduce_min3A_331 [1] : vector<256x256xi32> to vector<256xi32>
    %broadcast_in_dim3A_333 = vector.shape_cast %reduce_min3A_332 : vector<256xi32> to vector<256x1xi32>
    %swap3A_334 = arith.constant 0 : index
    %swap3A_335 = arith.constant 16 : index
    %swap3A_336 = vector.load %arg4[%swap3A_334, %swap3A_335] : memref<256x64xi32, #tpu.memory_space<vmem>>, vector<256x1xi32>
    tpu.vector_store %arg4[%swap3A_334, %swap3A_335], %broadcast_in_dim3A_333 {strides = array<i32>} : memref<256x64xi32, #tpu.memory_space<vmem>>, vector<256x1xi32>,
    %eq3A_337 = vector.broadcast %broadcast_in_dim3A_333 : vector<256x1xi32> to vector<256x256xi32>
    %eq3A_338 = arith.cmpi eq, %iota3A, %eq3A_337 : vector<256x256xi32>
    %jit3A_339 = arith.constant 0xFF800000 : f32
    %broadcast_in_dim3A_340 = vector.broadcast %jit3A_339 : f32 to vector<256x256xf32>
    %select_n3A_341 = arith.select %eq3A_338, %broadcast_in_dim3A_340, %select_n3A_322 : vector<256x256xi1>, vector<256x256xf32>
    %reduce_max3A_342 = arith.constant dense<0xFF800000> : vector<256xf32>
    %reduce_max3A_343 = vector.multi_reduction <maximumf>, %select_n3A_341, %reduce_max3A_342 [1] : vector<256x256xf32> to vector<256xf32>
    %broadcast_in_dim3A_344 = vector.shape_cast %reduce_max3A_343 : vector<256xf32> to vector<256x1xf32>
    %eq3A_345 = vector.broadcast %broadcast_in_dim3A_344 : vector<256x1xf32> to vector<256x256xf32>
    %eq3A_346 = arith.cmpf oeq, %select_n3A_341, %eq3A_345 : vector<256x256xf32>
    %jit3A_347 = arith.constant 256 : i32
    %broadcast_in_dim3A_348 = vector.broadcast %jit3A_347 : i32 to vector<256x256xi32>
    %select_n3A_349 = arith.select %eq3A_346, %iota3A, %broadcast_in_dim3A_348 : vector<256x256xi1>, vector<256x256xi32>
    %reduce_min3A_350 = arith.constant dense<2147483647> : vector<256xi32>
    %reduce_min3A_351 = vector.multi_reduction <minsi>, %select_n3A_349, %reduce_min3A_350 [1] : vector<256x256xi32> to vector<256xi32>
    %broadcast_in_dim3A_352 = vector.shape_cast %reduce_min3A_351 : vector<256xi32> to vector<256x1xi32>
    %swap3A_353 = arith.constant 0 : index
    %swap3A_354 = arith.constant 17 : index
    %swap3A_355 = vector.load %arg4[%swap3A_353, %swap3A_354] : memref<256x64xi32, #tpu.memory_space<vmem>>, vector<256x1xi32>
    tpu.vector_store %arg4[%swap3A_353, %swap3A_354], %broadcast_in_dim3A_352 {strides = array<i32>} : memref<256x64xi32, #tpu.memory_space<vmem>>, vector<256x1xi32>,
    %eq3A_356 = vector.broadcast %broadcast_in_dim3A_352 : vector<256x1xi32> to vector<256x256xi32>
    %eq3A_357 = arith.cmpi eq, %iota3A, %eq3A_356 : vector<256x256xi32>
    %jit3A_358 = arith.constant 0xFF800000 : f32
    %broadcast_in_dim3A_359 = vector.broadcast %jit3A_358 : f32 to vector<256x256xf32>
    %select_n3A_360 = arith.select %eq3A_357, %broadcast_in_dim3A_359, %select_n3A_341 : vector<256x256xi1>, vector<256x256xf32>
    %reduce_max3A_361 = arith.constant dense<0xFF800000> : vector<256xf32>
    %reduce_max3A_362 = vector.multi_reduction <maximumf>, %select_n3A_360, %reduce_max3A_361 [1] : vector<256x256xf32> to vector<256xf32>
    %broadcast_in_dim3A_363 = vector.shape_cast %reduce_max3A_362 : vector<256xf32> to vector<256x1xf32>
    %eq3A_364 = vector.broadcast %broadcast_in_dim3A_363 : vector<256x1xf32> to vector<256x256xf32>
    %eq3A_365 = arith.cmpf oeq, %select_n3A_360, %eq3A_364 : vector<256x256xf32>
    %jit3A_366 = arith.constant 256 : i32
    %broadcast_in_dim3A_367 = vector.broadcast %jit3A_366 : i32 to vector<256x256xi32>
    %select_n3A_368 = arith.select %eq3A_365, %iota3A, %broadcast_in_dim3A_367 : vector<256x256xi1>, vector<256x256xi32>
    %reduce_min3A_369 = arith.constant dense<2147483647> : vector<256xi32>
    %reduce_min3A_370 = vector.multi_reduction <minsi>, %select_n3A_368, %reduce_min3A_369 [1] : vector<256x256xi32> to vector<256xi32>
    %broadcast_in_dim3A_371 = vector.shape_cast %reduce_min3A_370 : vector<256xi32> to vector<256x1xi32>
    %swap3A_372 = arith.constant 0 : index
    %swap3A_373 = arith.constant 18 : index
    %swap3A_374 = vector.load %arg4[%swap3A_372, %swap3A_373] : memref<256x64xi32, #tpu.memory_space<vmem>>, vector<256x1xi32>
    tpu.vector_store %arg4[%swap3A_372, %swap3A_373], %broadcast_in_dim3A_371 {strides = array<i32>} : memref<256x64xi32, #tpu.memory_space<vmem>>, vector<256x1xi32>,
    %eq3A_375 = vector.broadcast %broadcast_in_dim3A_371 : vector<256x1xi32> to vector<256x256xi32>
    %eq3A_376 = arith.cmpi eq, %iota3A, %eq3A_375 : vector<256x256xi32>
    %jit3A_377 = arith.constant 0xFF800000 : f32
    %broadcast_in_dim3A_378 = vector.broadcast %jit3A_377 : f32 to vector<256x256xf32>
    %select_n3A_379 = arith.select %eq3A_376, %broadcast_in_dim3A_378, %select_n3A_360 : vector<256x256xi1>, vector<256x256xf32>
    %reduce_max3A_380 = arith.constant dense<0xFF800000> : vector<256xf32>
    %reduce_max3A_381 = vector.multi_reduction <maximumf>, %select_n3A_379, %reduce_max3A_380 [1] : vector<256x256xf32> to vector<256xf32>
    %broadcast_in_dim3A_382 = vector.shape_cast %reduce_max3A_381 : vector<256xf32> to vector<256x1xf32>
    %eq3A_383 = vector.broadcast %broadcast_in_dim3A_382 : vector<256x1xf32> to vector<256x256xf32>
    %eq3A_384 = arith.cmpf oeq, %select_n3A_379, %eq3A_383 : vector<256x256xf32>
    %jit3A_385 = arith.constant 256 : i32
    %broadcast_in_dim3A_386 = vector.broadcast %jit3A_385 : i32 to vector<256x256xi32>
    %select_n3A_387 = arith.select %eq3A_384, %iota3A, %broadcast_in_dim3A_386 : vector<256x256xi1>, vector<256x256xi32>
    %reduce_min3A_388 = arith.constant dense<2147483647> : vector<256xi32>
    %reduce_min3A_389 = vector.multi_reduction <minsi>, %select_n3A_387, %reduce_min3A_388 [1] : vector<256x256xi32> to vector<256xi32>
    %broadcast_in_dim3A_390 = vector.shape_cast %reduce_min3A_389 : vector<256xi32> to vector<256x1xi32>
    %swap3A_391 = arith.constant 0 : index
    %swap3A_392 = arith.constant 19 : index
    %swap3A_393 = vector.load %arg4[%swap3A_391, %swap3A_392] : memref<256x64xi32, #tpu.memory_space<vmem>>, vector<256x1xi32>
    tpu.vector_store %arg4[%swap3A_391, %swap3A_392], %broadcast_in_dim3A_390 {strides = array<i32>} : memref<256x64xi32, #tpu.memory_space<vmem>>, vector<256x1xi32>,
    %eq3A_394 = vector.broadcast %broadcast_in_dim3A_390 : vector<256x1xi32> to vector<256x256xi32>
    %eq3A_395 = arith.cmpi eq, %iota3A, %eq3A_394 : vector<256x256xi32>
    %jit3A_396 = arith.constant 0xFF800000 : f32
    %broadcast_in_dim3A_397 = vector.broadcast %jit3A_396 : f32 to vector<256x256xf32>
    %select_n3A_398 = arith.select %eq3A_395, %broadcast_in_dim3A_397, %select_n3A_379 : vector<256x256xi1>, vector<256x256xf32>
    %reduce_max3A_399 = arith.constant dense<0xFF800000> : vector<256xf32>
    %reduce_max3A_400 = vector.multi_reduction <maximumf>, %select_n3A_398, %reduce_max3A_399 [1] : vector<256x256xf32> to vector<256xf32>
    %broadcast_in_dim3A_401 = vector.shape_cast %reduce_max3A_400 : vector<256xf32> to vector<256x1xf32>
    %eq3A_402 = vector.broadcast %broadcast_in_dim3A_401 : vector<256x1xf32> to vector<256x256xf32>
    %eq3A_403 = arith.cmpf oeq, %select_n3A_398, %eq3A_402 : vector<256x256xf32>
    %jit3A_404 = arith.constant 256 : i32
    %broadcast_in_dim3A_405 = vector.broadcast %jit3A_404 : i32 to vector<256x256xi32>
    %select_n3A_406 = arith.select %eq3A_403, %iota3A, %broadcast_in_dim3A_405 : vector<256x256xi1>, vector<256x256xi32>
    %reduce_min3A_407 = arith.constant dense<2147483647> : vector<256xi32>
    %reduce_min3A_408 = vector.multi_reduction <minsi>, %select_n3A_406, %reduce_min3A_407 [1] : vector<256x256xi32> to vector<256xi32>
    %broadcast_in_dim3A_409 = vector.shape_cast %reduce_min3A_408 : vector<256xi32> to vector<256x1xi32>
    %swap3A_410 = arith.constant 0 : index
    %swap3A_411 = arith.constant 20 : index
    %swap3A_412 = vector.load %arg4[%swap3A_410, %swap3A_411] : memref<256x64xi32, #tpu.memory_space<vmem>>, vector<256x1xi32>
    tpu.vector_store %arg4[%swap3A_410, %swap3A_411], %broadcast_in_dim3A_409 {strides = array<i32>} : memref<256x64xi32, #tpu.memory_space<vmem>>, vector<256x1xi32>,
    %eq3A_413 = vector.broadcast %broadcast_in_dim3A_409 : vector<256x1xi32> to vector<256x256xi32>
    %eq3A_414 = arith.cmpi eq, %iota3A, %eq3A_413 : vector<256x256xi32>
    %jit3A_415 = arith.constant 0xFF800000 : f32
    %broadcast_in_dim3A_416 = vector.broadcast %jit3A_415 : f32 to vector<256x256xf32>
    %select_n3A_417 = arith.select %eq3A_414, %broadcast_in_dim3A_416, %select_n3A_398 : vector<256x256xi1>, vector<256x256xf32>
    %reduce_max3A_418 = arith.constant dense<0xFF800000> : vector<256xf32>
    %reduce_max3A_419 = vector.multi_reduction <maximumf>, %select_n3A_417, %reduce_max3A_418 [1] : vector<256x256xf32> to vector<256xf32>
    %broadcast_in_dim3A_420 = vector.shape_cast %reduce_max3A_419 : vector<256xf32> to vector<256x1xf32>
    %eq3A_421 = vector.broadcast %broadcast_in_dim3A_420 : vector<256x1xf32> to vector<256x256xf32>
    %eq3A_422 = arith.cmpf oeq, %select_n3A_417, %eq3A_421 : vector<256x256xf32>
    %jit3A_423 = arith.constant 256 : i32
    %broadcast_in_dim3A_424 = vector.broadcast %jit3A_423 : i32 to vector<256x256xi32>
    %select_n3A_425 = arith.select %eq3A_422, %iota3A, %broadcast_in_dim3A_424 : vector<256x256xi1>, vector<256x256xi32>
    %reduce_min3A_426 = arith.constant dense<2147483647> : vector<256xi32>
    %reduce_min3A_427 = vector.multi_reduction <minsi>, %select_n3A_425, %reduce_min3A_426 [1] : vector<256x256xi32> to vector<256xi32>
    %broadcast_in_dim3A_428 = vector.shape_cast %reduce_min3A_427 : vector<256xi32> to vector<256x1xi32>
    %swap3A_429 = arith.constant 0 : index
    %swap3A_430 = arith.constant 21 : index
    %swap3A_431 = vector.load %arg4[%swap3A_429, %swap3A_430] : memref<256x64xi32, #tpu.memory_space<vmem>>, vector<256x1xi32>
    tpu.vector_store %arg4[%swap3A_429, %swap3A_430], %broadcast_in_dim3A_428 {strides = array<i32>} : memref<256x64xi32, #tpu.memory_space<vmem>>, vector<256x1xi32>,
    %eq3A_432 = vector.broadcast %broadcast_in_dim3A_428 : vector<256x1xi32> to vector<256x256xi32>
    %eq3A_433 = arith.cmpi eq, %iota3A, %eq3A_432 : vector<256x256xi32>
    %jit3A_434 = arith.constant 0xFF800000 : f32
    %broadcast_in_dim3A_435 = vector.broadcast %jit3A_434 : f32 to vector<256x256xf32>
    %select_n3A_436 = arith.select %eq3A_433, %broadcast_in_dim3A_435, %select_n3A_417 : vector<256x256xi1>, vector<256x256xf32>
    %reduce_max3A_437 = arith.constant dense<0xFF800000> : vector<256xf32>
    %reduce_max3A_438 = vector.multi_reduction <maximumf>, %select_n3A_436, %reduce_max3A_437 [1] : vector<256x256xf32> to vector<256xf32>
    %broadcast_in_dim3A_439 = vector.shape_cast %reduce_max3A_438 : vector<256xf32> to vector<256x1xf32>
    %eq3A_440 = vector.broadcast %broadcast_in_dim3A_439 : vector<256x1xf32> to vector<256x256xf32>
    %eq3A_441 = arith.cmpf oeq, %select_n3A_436, %eq3A_440 : vector<256x256xf32>
    %jit3A_442 = arith.constant 256 : i32
    %broadcast_in_dim3A_443 = vector.broadcast %jit3A_442 : i32 to vector<256x256xi32>
    %select_n3A_444 = arith.select %eq3A_441, %iota3A, %broadcast_in_dim3A_443 : vector<256x256xi1>, vector<256x256xi32>
    %reduce_min3A_445 = arith.constant dense<2147483647> : vector<256xi32>
    %reduce_min3A_446 = vector.multi_reduction <minsi>, %select_n3A_444, %reduce_min3A_445 [1] : vector<256x256xi32> to vector<256xi32>
    %broadcast_in_dim3A_447 = vector.shape_cast %reduce_min3A_446 : vector<256xi32> to vector<256x1xi32>
    %swap3A_448 = arith.constant 0 : index
    %swap3A_449 = arith.constant 22 : index
    %swap3A_450 = vector.load %arg4[%swap3A_448, %swap3A_449] : memref<256x64xi32, #tpu.memory_space<vmem>>, vector<256x1xi32>
    tpu.vector_store %arg4[%swap3A_448, %swap3A_449], %broadcast_in_dim3A_447 {strides = array<i32>} : memref<256x64xi32, #tpu.memory_space<vmem>>, vector<256x1xi32>,
    %eq3A_451 = vector.broadcast %broadcast_in_dim3A_447 : vector<256x1xi32> to vector<256x256xi32>
    %eq3A_452 = arith.cmpi eq, %iota3A, %eq3A_451 : vector<256x256xi32>
    %jit3A_453 = arith.constant 0xFF800000 : f32
    %broadcast_in_dim3A_454 = vector.broadcast %jit3A_453 : f32 to vector<256x256xf32>
    %select_n3A_455 = arith.select %eq3A_452, %broadcast_in_dim3A_454, %select_n3A_436 : vector<256x256xi1>, vector<256x256xf32>
    %reduce_max3A_456 = arith.constant dense<0xFF800000> : vector<256xf32>
    %reduce_max3A_457 = vector.multi_reduction <maximumf>, %select_n3A_455, %reduce_max3A_456 [1] : vector<256x256xf32> to vector<256xf32>
    %broadcast_in_dim3A_458 = vector.shape_cast %reduce_max3A_457 : vector<256xf32> to vector<256x1xf32>
    %eq3A_459 = vector.broadcast %broadcast_in_dim3A_458 : vector<256x1xf32> to vector<256x256xf32>
    %eq3A_460 = arith.cmpf oeq, %select_n3A_455, %eq3A_459 : vector<256x256xf32>
    %jit3A_461 = arith.constant 256 : i32
    %broadcast_in_dim3A_462 = vector.broadcast %jit3A_461 : i32 to vector<256x256xi32>
    %select_n3A_463 = arith.select %eq3A_460, %iota3A, %broadcast_in_dim3A_462 : vector<256x256xi1>, vector<256x256xi32>
    %reduce_min3A_464 = arith.constant dense<2147483647> : vector<256xi32>
    %reduce_min3A_465 = vector.multi_reduction <minsi>, %select_n3A_463, %reduce_min3A_464 [1] : vector<256x256xi32> to vector<256xi32>
    %broadcast_in_dim3A_466 = vector.shape_cast %reduce_min3A_465 : vector<256xi32> to vector<256x1xi32>
    %swap3A_467 = arith.constant 0 : index
    %swap3A_468 = arith.constant 23 : index
    %swap3A_469 = vector.load %arg4[%swap3A_467, %swap3A_468] : memref<256x64xi32, #tpu.memory_space<vmem>>, vector<256x1xi32>
    tpu.vector_store %arg4[%swap3A_467, %swap3A_468], %broadcast_in_dim3A_466 {strides = array<i32>} : memref<256x64xi32, #tpu.memory_space<vmem>>, vector<256x1xi32>,
    %eq3A_470 = vector.broadcast %broadcast_in_dim3A_466 : vector<256x1xi32> to vector<256x256xi32>
    %eq3A_471 = arith.cmpi eq, %iota3A, %eq3A_470 : vector<256x256xi32>
    %jit3A_472 = arith.constant 0xFF800000 : f32
    %broadcast_in_dim3A_473 = vector.broadcast %jit3A_472 : f32 to vector<256x256xf32>
    %select_n3A_474 = arith.select %eq3A_471, %broadcast_in_dim3A_473, %select_n3A_455 : vector<256x256xi1>, vector<256x256xf32>
    %reduce_max3A_475 = arith.constant dense<0xFF800000> : vector<256xf32>
    %reduce_max3A_476 = vector.multi_reduction <maximumf>, %select_n3A_474, %reduce_max3A_475 [1] : vector<256x256xf32> to vector<256xf32>
    %broadcast_in_dim3A_477 = vector.shape_cast %reduce_max3A_476 : vector<256xf32> to vector<256x1xf32>
    %eq3A_478 = vector.broadcast %broadcast_in_dim3A_477 : vector<256x1xf32> to vector<256x256xf32>
    %eq3A_479 = arith.cmpf oeq, %select_n3A_474, %eq3A_478 : vector<256x256xf32>
    %jit3A_480 = arith.constant 256 : i32
    %broadcast_in_dim3A_481 = vector.broadcast %jit3A_480 : i32 to vector<256x256xi32>
    %select_n3A_482 = arith.select %eq3A_479, %iota3A, %broadcast_in_dim3A_481 : vector<256x256xi1>, vector<256x256xi32>
    %reduce_min3A_483 = arith.constant dense<2147483647> : vector<256xi32>
    %reduce_min3A_484 = vector.multi_reduction <minsi>, %select_n3A_482, %reduce_min3A_483 [1] : vector<256x256xi32> to vector<256xi32>
    %broadcast_in_dim3A_485 = vector.shape_cast %reduce_min3A_484 : vector<256xi32> to vector<256x1xi32>
    %swap3A_486 = arith.constant 0 : index
    %swap3A_487 = arith.constant 24 : index
    %swap3A_488 = vector.load %arg4[%swap3A_486, %swap3A_487] : memref<256x64xi32, #tpu.memory_space<vmem>>, vector<256x1xi32>
    tpu.vector_store %arg4[%swap3A_486, %swap3A_487], %broadcast_in_dim3A_485 {strides = array<i32>} : memref<256x64xi32, #tpu.memory_space<vmem>>, vector<256x1xi32>,
    %eq3A_489 = vector.broadcast %broadcast_in_dim3A_485 : vector<256x1xi32> to vector<256x256xi32>
    %eq3A_490 = arith.cmpi eq, %iota3A, %eq3A_489 : vector<256x256xi32>
    %jit3A_491 = arith.constant 0xFF800000 : f32
    %broadcast_in_dim3A_492 = vector.broadcast %jit3A_491 : f32 to vector<256x256xf32>
    %select_n3A_493 = arith.select %eq3A_490, %broadcast_in_dim3A_492, %select_n3A_474 : vector<256x256xi1>, vector<256x256xf32>
    %reduce_max3A_494 = arith.constant dense<0xFF800000> : vector<256xf32>
    %reduce_max3A_495 = vector.multi_reduction <maximumf>, %select_n3A_493, %reduce_max3A_494 [1] : vector<256x256xf32> to vector<256xf32>
    %broadcast_in_dim3A_496 = vector.shape_cast %reduce_max3A_495 : vector<256xf32> to vector<256x1xf32>
    %eq3A_497 = vector.broadcast %broadcast_in_dim3A_496 : vector<256x1xf32> to vector<256x256xf32>
    %eq3A_498 = arith.cmpf oeq, %select_n3A_493, %eq3A_497 : vector<256x256xf32>
    %jit3A_499 = arith.constant 256 : i32
    %broadcast_in_dim3A_500 = vector.broadcast %jit3A_499 : i32 to vector<256x256xi32>
    %select_n3A_501 = arith.select %eq3A_498, %iota3A, %broadcast_in_dim3A_500 : vector<256x256xi1>, vector<256x256xi32>
    %reduce_min3A_502 = arith.constant dense<2147483647> : vector<256xi32>
    %reduce_min3A_503 = vector.multi_reduction <minsi>, %select_n3A_501, %reduce_min3A_502 [1] : vector<256x256xi32> to vector<256xi32>
    %broadcast_in_dim3A_504 = vector.shape_cast %reduce_min3A_503 : vector<256xi32> to vector<256x1xi32>
    %swap3A_505 = arith.constant 0 : index
    %swap3A_506 = arith.constant 25 : index
    %swap3A_507 = vector.load %arg4[%swap3A_505, %swap3A_506] : memref<256x64xi32, #tpu.memory_space<vmem>>, vector<256x1xi32>
    tpu.vector_store %arg4[%swap3A_505, %swap3A_506], %broadcast_in_dim3A_504 {strides = array<i32>} : memref<256x64xi32, #tpu.memory_space<vmem>>, vector<256x1xi32>,
    %eq3A_508 = vector.broadcast %broadcast_in_dim3A_504 : vector<256x1xi32> to vector<256x256xi32>
    %eq3A_509 = arith.cmpi eq, %iota3A, %eq3A_508 : vector<256x256xi32>
    %jit3A_510 = arith.constant 0xFF800000 : f32
    %broadcast_in_dim3A_511 = vector.broadcast %jit3A_510 : f32 to vector<256x256xf32>
    %select_n3A_512 = arith.select %eq3A_509, %broadcast_in_dim3A_511, %select_n3A_493 : vector<256x256xi1>, vector<256x256xf32>
    %reduce_max3A_513 = arith.constant dense<0xFF800000> : vector<256xf32>
    %reduce_max3A_514 = vector.multi_reduction <maximumf>, %select_n3A_512, %reduce_max3A_513 [1] : vector<256x256xf32> to vector<256xf32>
    %broadcast_in_dim3A_515 = vector.shape_cast %reduce_max3A_514 : vector<256xf32> to vector<256x1xf32>
    %eq3A_516 = vector.broadcast %broadcast_in_dim3A_515 : vector<256x1xf32> to vector<256x256xf32>
    %eq3A_517 = arith.cmpf oeq, %select_n3A_512, %eq3A_516 : vector<256x256xf32>
    %jit3A_518 = arith.constant 256 : i32
    %broadcast_in_dim3A_519 = vector.broadcast %jit3A_518 : i32 to vector<256x256xi32>
    %select_n3A_520 = arith.select %eq3A_517, %iota3A, %broadcast_in_dim3A_519 : vector<256x256xi1>, vector<256x256xi32>
    %reduce_min3A_521 = arith.constant dense<2147483647> : vector<256xi32>
    %reduce_min3A_522 = vector.multi_reduction <minsi>, %select_n3A_520, %reduce_min3A_521 [1] : vector<256x256xi32> to vector<256xi32>
    %broadcast_in_dim3A_523 = vector.shape_cast %reduce_min3A_522 : vector<256xi32> to vector<256x1xi32>
    %swap3A_524 = arith.constant 0 : index
    %swap3A_525 = arith.constant 26 : index
    %swap3A_526 = vector.load %arg4[%swap3A_524, %swap3A_525] : memref<256x64xi32, #tpu.memory_space<vmem>>, vector<256x1xi32>
    tpu.vector_store %arg4[%swap3A_524, %swap3A_525], %broadcast_in_dim3A_523 {strides = array<i32>} : memref<256x64xi32, #tpu.memory_space<vmem>>, vector<256x1xi32>,
    %eq3A_527 = vector.broadcast %broadcast_in_dim3A_523 : vector<256x1xi32> to vector<256x256xi32>
    %eq3A_528 = arith.cmpi eq, %iota3A, %eq3A_527 : vector<256x256xi32>
    %jit3A_529 = arith.constant 0xFF800000 : f32
    %broadcast_in_dim3A_530 = vector.broadcast %jit3A_529 : f32 to vector<256x256xf32>
    %select_n3A_531 = arith.select %eq3A_528, %broadcast_in_dim3A_530, %select_n3A_512 : vector<256x256xi1>, vector<256x256xf32>
    %reduce_max3A_532 = arith.constant dense<0xFF800000> : vector<256xf32>
    %reduce_max3A_533 = vector.multi_reduction <maximumf>, %select_n3A_531, %reduce_max3A_532 [1] : vector<256x256xf32> to vector<256xf32>
    %broadcast_in_dim3A_534 = vector.shape_cast %reduce_max3A_533 : vector<256xf32> to vector<256x1xf32>
    %eq3A_535 = vector.broadcast %broadcast_in_dim3A_534 : vector<256x1xf32> to vector<256x256xf32>
    %eq3A_536 = arith.cmpf oeq, %select_n3A_531, %eq3A_535 : vector<256x256xf32>
    %jit3A_537 = arith.constant 256 : i32
    %broadcast_in_dim3A_538 = vector.broadcast %jit3A_537 : i32 to vector<256x256xi32>
    %select_n3A_539 = arith.select %eq3A_536, %iota3A, %broadcast_in_dim3A_538 : vector<256x256xi1>, vector<256x256xi32>
    %reduce_min3A_540 = arith.constant dense<2147483647> : vector<256xi32>
    %reduce_min3A_541 = vector.multi_reduction <minsi>, %select_n3A_539, %reduce_min3A_540 [1] : vector<256x256xi32> to vector<256xi32>
    %broadcast_in_dim3A_542 = vector.shape_cast %reduce_min3A_541 : vector<256xi32> to vector<256x1xi32>
    %swap3A_543 = arith.constant 0 : index
    %swap3A_544 = arith.constant 27 : index
    %swap3A_545 = vector.load %arg4[%swap3A_543, %swap3A_544] : memref<256x64xi32, #tpu.memory_space<vmem>>, vector<256x1xi32>
    tpu.vector_store %arg4[%swap3A_543, %swap3A_544], %broadcast_in_dim3A_542 {strides = array<i32>} : memref<256x64xi32, #tpu.memory_space<vmem>>, vector<256x1xi32>,
    %eq3A_546 = vector.broadcast %broadcast_in_dim3A_542 : vector<256x1xi32> to vector<256x256xi32>
    %eq3A_547 = arith.cmpi eq, %iota3A, %eq3A_546 : vector<256x256xi32>
    %jit3A_548 = arith.constant 0xFF800000 : f32
    %broadcast_in_dim3A_549 = vector.broadcast %jit3A_548 : f32 to vector<256x256xf32>
    %select_n3A_550 = arith.select %eq3A_547, %broadcast_in_dim3A_549, %select_n3A_531 : vector<256x256xi1>, vector<256x256xf32>
    %reduce_max3A_551 = arith.constant dense<0xFF800000> : vector<256xf32>
    %reduce_max3A_552 = vector.multi_reduction <maximumf>, %select_n3A_550, %reduce_max3A_551 [1] : vector<256x256xf32> to vector<256xf32>
    %broadcast_in_dim3A_553 = vector.shape_cast %reduce_max3A_552 : vector<256xf32> to vector<256x1xf32>
    %eq3A_554 = vector.broadcast %broadcast_in_dim3A_553 : vector<256x1xf32> to vector<256x256xf32>
    %eq3A_555 = arith.cmpf oeq, %select_n3A_550, %eq3A_554 : vector<256x256xf32>
    %jit3A_556 = arith.constant 256 : i32
    %broadcast_in_dim3A_557 = vector.broadcast %jit3A_556 : i32 to vector<256x256xi32>
    %select_n3A_558 = arith.select %eq3A_555, %iota3A, %broadcast_in_dim3A_557 : vector<256x256xi1>, vector<256x256xi32>
    %reduce_min3A_559 = arith.constant dense<2147483647> : vector<256xi32>
    %reduce_min3A_560 = vector.multi_reduction <minsi>, %select_n3A_558, %reduce_min3A_559 [1] : vector<256x256xi32> to vector<256xi32>
    %broadcast_in_dim3A_561 = vector.shape_cast %reduce_min3A_560 : vector<256xi32> to vector<256x1xi32>
    %swap3A_562 = arith.constant 0 : index
    %swap3A_563 = arith.constant 28 : index
    %swap3A_564 = vector.load %arg4[%swap3A_562, %swap3A_563] : memref<256x64xi32, #tpu.memory_space<vmem>>, vector<256x1xi32>
    tpu.vector_store %arg4[%swap3A_562, %swap3A_563], %broadcast_in_dim3A_561 {strides = array<i32>} : memref<256x64xi32, #tpu.memory_space<vmem>>, vector<256x1xi32>,
    %eq3A_565 = vector.broadcast %broadcast_in_dim3A_561 : vector<256x1xi32> to vector<256x256xi32>
    %eq3A_566 = arith.cmpi eq, %iota3A, %eq3A_565 : vector<256x256xi32>
    %jit3A_567 = arith.constant 0xFF800000 : f32
    %broadcast_in_dim3A_568 = vector.broadcast %jit3A_567 : f32 to vector<256x256xf32>
    %select_n3A_569 = arith.select %eq3A_566, %broadcast_in_dim3A_568, %select_n3A_550 : vector<256x256xi1>, vector<256x256xf32>
    %reduce_max3A_570 = arith.constant dense<0xFF800000> : vector<256xf32>
    %reduce_max3A_571 = vector.multi_reduction <maximumf>, %select_n3A_569, %reduce_max3A_570 [1] : vector<256x256xf32> to vector<256xf32>
    %broadcast_in_dim3A_572 = vector.shape_cast %reduce_max3A_571 : vector<256xf32> to vector<256x1xf32>
    %eq3A_573 = vector.broadcast %broadcast_in_dim3A_572 : vector<256x1xf32> to vector<256x256xf32>
    %eq3A_574 = arith.cmpf oeq, %select_n3A_569, %eq3A_573 : vector<256x256xf32>
    %jit3A_575 = arith.constant 256 : i32
    %broadcast_in_dim3A_576 = vector.broadcast %jit3A_575 : i32 to vector<256x256xi32>
    %select_n3A_577 = arith.select %eq3A_574, %iota3A, %broadcast_in_dim3A_576 : vector<256x256xi1>, vector<256x256xi32>
    %reduce_min3A_578 = arith.constant dense<2147483647> : vector<256xi32>
    %reduce_min3A_579 = vector.multi_reduction <minsi>, %select_n3A_577, %reduce_min3A_578 [1] : vector<256x256xi32> to vector<256xi32>
    %broadcast_in_dim3A_580 = vector.shape_cast %reduce_min3A_579 : vector<256xi32> to vector<256x1xi32>
    %swap3A_581 = arith.constant 0 : index
    %swap3A_582 = arith.constant 29 : index
    %swap3A_583 = vector.load %arg4[%swap3A_581, %swap3A_582] : memref<256x64xi32, #tpu.memory_space<vmem>>, vector<256x1xi32>
    tpu.vector_store %arg4[%swap3A_581, %swap3A_582], %broadcast_in_dim3A_580 {strides = array<i32>} : memref<256x64xi32, #tpu.memory_space<vmem>>, vector<256x1xi32>,
    %eq3A_584 = vector.broadcast %broadcast_in_dim3A_580 : vector<256x1xi32> to vector<256x256xi32>
    %eq3A_585 = arith.cmpi eq, %iota3A, %eq3A_584 : vector<256x256xi32>
    %jit3A_586 = arith.constant 0xFF800000 : f32
    %broadcast_in_dim3A_587 = vector.broadcast %jit3A_586 : f32 to vector<256x256xf32>
    %select_n3A_588 = arith.select %eq3A_585, %broadcast_in_dim3A_587, %select_n3A_569 : vector<256x256xi1>, vector<256x256xf32>
    %reduce_max3A_589 = arith.constant dense<0xFF800000> : vector<256xf32>
    %reduce_max3A_590 = vector.multi_reduction <maximumf>, %select_n3A_588, %reduce_max3A_589 [1] : vector<256x256xf32> to vector<256xf32>
    %broadcast_in_dim3A_591 = vector.shape_cast %reduce_max3A_590 : vector<256xf32> to vector<256x1xf32>
    %eq3A_592 = vector.broadcast %broadcast_in_dim3A_591 : vector<256x1xf32> to vector<256x256xf32>
    %eq3A_593 = arith.cmpf oeq, %select_n3A_588, %eq3A_592 : vector<256x256xf32>
    %jit3A_594 = arith.constant 256 : i32
    %broadcast_in_dim3A_595 = vector.broadcast %jit3A_594 : i32 to vector<256x256xi32>
    %select_n3A_596 = arith.select %eq3A_593, %iota3A, %broadcast_in_dim3A_595 : vector<256x256xi1>, vector<256x256xi32>
    %reduce_min3A_597 = arith.constant dense<2147483647> : vector<256xi32>
    %reduce_min3A_598 = vector.multi_reduction <minsi>, %select_n3A_596, %reduce_min3A_597 [1] : vector<256x256xi32> to vector<256xi32>
    %broadcast_in_dim3A_599 = vector.shape_cast %reduce_min3A_598 : vector<256xi32> to vector<256x1xi32>
    %swap3A_600 = arith.constant 0 : index
    %swap3A_601 = arith.constant 30 : index
    %swap3A_602 = vector.load %arg4[%swap3A_600, %swap3A_601] : memref<256x64xi32, #tpu.memory_space<vmem>>, vector<256x1xi32>
    tpu.vector_store %arg4[%swap3A_600, %swap3A_601], %broadcast_in_dim3A_599 {strides = array<i32>} : memref<256x64xi32, #tpu.memory_space<vmem>>, vector<256x1xi32>,
    %eq3A_603 = vector.broadcast %broadcast_in_dim3A_599 : vector<256x1xi32> to vector<256x256xi32>
    %eq3A_604 = arith.cmpi eq, %iota3A, %eq3A_603 : vector<256x256xi32>
    %jit3A_605 = arith.constant 0xFF800000 : f32
    %broadcast_in_dim3A_606 = vector.broadcast %jit3A_605 : f32 to vector<256x256xf32>
    %select_n3A_607 = arith.select %eq3A_604, %broadcast_in_dim3A_606, %select_n3A_588 : vector<256x256xi1>, vector<256x256xf32>
    %reduce_max3A_608 = arith.constant dense<0xFF800000> : vector<256xf32>
    %reduce_max3A_609 = vector.multi_reduction <maximumf>, %select_n3A_607, %reduce_max3A_608 [1] : vector<256x256xf32> to vector<256xf32>
    %broadcast_in_dim3A_610 = vector.shape_cast %reduce_max3A_609 : vector<256xf32> to vector<256x1xf32>
    %eq3A_611 = vector.broadcast %broadcast_in_dim3A_610 : vector<256x1xf32> to vector<256x256xf32>
    %eq3A_612 = arith.cmpf oeq, %select_n3A_607, %eq3A_611 : vector<256x256xf32>
    %jit3A_613 = arith.constant 256 : i32
    %broadcast_in_dim3A_614 = vector.broadcast %jit3A_613 : i32 to vector<256x256xi32>
    %select_n3A_615 = arith.select %eq3A_612, %iota3A, %broadcast_in_dim3A_614 : vector<256x256xi1>, vector<256x256xi32>
    %reduce_min3A_616 = arith.constant dense<2147483647> : vector<256xi32>
    %reduce_min3A_617 = vector.multi_reduction <minsi>, %select_n3A_615, %reduce_min3A_616 [1] : vector<256x256xi32> to vector<256xi32>
    %broadcast_in_dim3A_618 = vector.shape_cast %reduce_min3A_617 : vector<256xi32> to vector<256x1xi32>
    %swap3A_619 = arith.constant 0 : index
    %swap3A_620 = arith.constant 31 : index
    %swap3A_621 = vector.load %arg4[%swap3A_619, %swap3A_620] : memref<256x64xi32, #tpu.memory_space<vmem>>, vector<256x1xi32>
    tpu.vector_store %arg4[%swap3A_619, %swap3A_620], %broadcast_in_dim3A_618 {strides = array<i32>} : memref<256x64xi32, #tpu.memory_space<vmem>>, vector<256x1xi32>,
    %eq3A_622 = vector.broadcast %broadcast_in_dim3A_618 : vector<256x1xi32> to vector<256x256xi32>
    %eq3A_623 = arith.cmpi eq, %iota3A, %eq3A_622 : vector<256x256xi32>
    %jit3A_624 = arith.constant 0xFF800000 : f32
    %broadcast_in_dim3A_625 = vector.broadcast %jit3A_624 : f32 to vector<256x256xf32>
    %select_n3A_626 = arith.select %eq3A_623, %broadcast_in_dim3A_625, %select_n3A_607 : vector<256x256xi1>, vector<256x256xf32>
    %reduce_max3A_627 = arith.constant dense<0xFF800000> : vector<256xf32>
    %reduce_max3A_628 = vector.multi_reduction <maximumf>, %select_n3A_626, %reduce_max3A_627 [1] : vector<256x256xf32> to vector<256xf32>
    %broadcast_in_dim3A_629 = vector.shape_cast %reduce_max3A_628 : vector<256xf32> to vector<256x1xf32>
    %eq3A_630 = vector.broadcast %broadcast_in_dim3A_629 : vector<256x1xf32> to vector<256x256xf32>
    %eq3A_631 = arith.cmpf oeq, %select_n3A_626, %eq3A_630 : vector<256x256xf32>
    %jit3A_632 = arith.constant 256 : i32
    %broadcast_in_dim3A_633 = vector.broadcast %jit3A_632 : i32 to vector<256x256xi32>
    %select_n3A_634 = arith.select %eq3A_631, %iota3A, %broadcast_in_dim3A_633 : vector<256x256xi1>, vector<256x256xi32>
    %reduce_min3A_635 = arith.constant dense<2147483647> : vector<256xi32>
    %reduce_min3A_636 = vector.multi_reduction <minsi>, %select_n3A_634, %reduce_min3A_635 [1] : vector<256x256xi32> to vector<256xi32>
    %broadcast_in_dim3A_637 = vector.shape_cast %reduce_min3A_636 : vector<256xi32> to vector<256x1xi32>
    %swap3A_638 = arith.constant 0 : index
    %swap3A_639 = arith.constant 32 : index
    %swap3A_640 = vector.load %arg4[%swap3A_638, %swap3A_639] : memref<256x64xi32, #tpu.memory_space<vmem>>, vector<256x1xi32>
    tpu.vector_store %arg4[%swap3A_638, %swap3A_639], %broadcast_in_dim3A_637 {strides = array<i32>} : memref<256x64xi32, #tpu.memory_space<vmem>>, vector<256x1xi32>,
    %eq3A_641 = vector.broadcast %broadcast_in_dim3A_637 : vector<256x1xi32> to vector<256x256xi32>
    %eq3A_642 = arith.cmpi eq, %iota3A, %eq3A_641 : vector<256x256xi32>
    %jit3A_643 = arith.constant 0xFF800000 : f32
    %broadcast_in_dim3A_644 = vector.broadcast %jit3A_643 : f32 to vector<256x256xf32>
    %select_n3A_645 = arith.select %eq3A_642, %broadcast_in_dim3A_644, %select_n3A_626 : vector<256x256xi1>, vector<256x256xf32>
    %reduce_max3A_646 = arith.constant dense<0xFF800000> : vector<256xf32>
    %reduce_max3A_647 = vector.multi_reduction <maximumf>, %select_n3A_645, %reduce_max3A_646 [1] : vector<256x256xf32> to vector<256xf32>
    %broadcast_in_dim3A_648 = vector.shape_cast %reduce_max3A_647 : vector<256xf32> to vector<256x1xf32>
    %eq3A_649 = vector.broadcast %broadcast_in_dim3A_648 : vector<256x1xf32> to vector<256x256xf32>
    %eq3A_650 = arith.cmpf oeq, %select_n3A_645, %eq3A_649 : vector<256x256xf32>
    %jit3A_651 = arith.constant 256 : i32
    %broadcast_in_dim3A_652 = vector.broadcast %jit3A_651 : i32 to vector<256x256xi32>
    %select_n3A_653 = arith.select %eq3A_650, %iota3A, %broadcast_in_dim3A_652 : vector<256x256xi1>, vector<256x256xi32>
    %reduce_min3A_654 = arith.constant dense<2147483647> : vector<256xi32>
    %reduce_min3A_655 = vector.multi_reduction <minsi>, %select_n3A_653, %reduce_min3A_654 [1] : vector<256x256xi32> to vector<256xi32>
    %broadcast_in_dim3A_656 = vector.shape_cast %reduce_min3A_655 : vector<256xi32> to vector<256x1xi32>
    %swap3A_657 = arith.constant 0 : index
    %swap3A_658 = arith.constant 33 : index
    %swap3A_659 = vector.load %arg4[%swap3A_657, %swap3A_658] : memref<256x64xi32, #tpu.memory_space<vmem>>, vector<256x1xi32>
    tpu.vector_store %arg4[%swap3A_657, %swap3A_658], %broadcast_in_dim3A_656 {strides = array<i32>} : memref<256x64xi32, #tpu.memory_space<vmem>>, vector<256x1xi32>,
    %eq3A_660 = vector.broadcast %broadcast_in_dim3A_656 : vector<256x1xi32> to vector<256x256xi32>
    %eq3A_661 = arith.cmpi eq, %iota3A, %eq3A_660 : vector<256x256xi32>
    %jit3A_662 = arith.constant 0xFF800000 : f32
    %broadcast_in_dim3A_663 = vector.broadcast %jit3A_662 : f32 to vector<256x256xf32>
    %select_n3A_664 = arith.select %eq3A_661, %broadcast_in_dim3A_663, %select_n3A_645 : vector<256x256xi1>, vector<256x256xf32>
    %reduce_max3A_665 = arith.constant dense<0xFF800000> : vector<256xf32>
    %reduce_max3A_666 = vector.multi_reduction <maximumf>, %select_n3A_664, %reduce_max3A_665 [1] : vector<256x256xf32> to vector<256xf32>
    %broadcast_in_dim3A_667 = vector.shape_cast %reduce_max3A_666 : vector<256xf32> to vector<256x1xf32>
    %eq3A_668 = vector.broadcast %broadcast_in_dim3A_667 : vector<256x1xf32> to vector<256x256xf32>
    %eq3A_669 = arith.cmpf oeq, %select_n3A_664, %eq3A_668 : vector<256x256xf32>
    %jit3A_670 = arith.constant 256 : i32
    %broadcast_in_dim3A_671 = vector.broadcast %jit3A_670 : i32 to vector<256x256xi32>
    %select_n3A_672 = arith.select %eq3A_669, %iota3A, %broadcast_in_dim3A_671 : vector<256x256xi1>, vector<256x256xi32>
    %reduce_min3A_673 = arith.constant dense<2147483647> : vector<256xi32>
    %reduce_min3A_674 = vector.multi_reduction <minsi>, %select_n3A_672, %reduce_min3A_673 [1] : vector<256x256xi32> to vector<256xi32>
    %broadcast_in_dim3A_675 = vector.shape_cast %reduce_min3A_674 : vector<256xi32> to vector<256x1xi32>
    %swap3A_676 = arith.constant 0 : index
    %swap3A_677 = arith.constant 34 : index
    %swap3A_678 = vector.load %arg4[%swap3A_676, %swap3A_677] : memref<256x64xi32, #tpu.memory_space<vmem>>, vector<256x1xi32>
    tpu.vector_store %arg4[%swap3A_676, %swap3A_677], %broadcast_in_dim3A_675 {strides = array<i32>} : memref<256x64xi32, #tpu.memory_space<vmem>>, vector<256x1xi32>,
    %eq3A_679 = vector.broadcast %broadcast_in_dim3A_675 : vector<256x1xi32> to vector<256x256xi32>
    %eq3A_680 = arith.cmpi eq, %iota3A, %eq3A_679 : vector<256x256xi32>
    %jit3A_681 = arith.constant 0xFF800000 : f32
    %broadcast_in_dim3A_682 = vector.broadcast %jit3A_681 : f32 to vector<256x256xf32>
    %select_n3A_683 = arith.select %eq3A_680, %broadcast_in_dim3A_682, %select_n3A_664 : vector<256x256xi1>, vector<256x256xf32>
    %reduce_max3A_684 = arith.constant dense<0xFF800000> : vector<256xf32>
    %reduce_max3A_685 = vector.multi_reduction <maximumf>, %select_n3A_683, %reduce_max3A_684 [1] : vector<256x256xf32> to vector<256xf32>
    %broadcast_in_dim3A_686 = vector.shape_cast %reduce_max3A_685 : vector<256xf32> to vector<256x1xf32>
    %eq3A_687 = vector.broadcast %broadcast_in_dim3A_686 : vector<256x1xf32> to vector<256x256xf32>
    %eq3A_688 = arith.cmpf oeq, %select_n3A_683, %eq3A_687 : vector<256x256xf32>
    %jit3A_689 = arith.constant 256 : i32
    %broadcast_in_dim3A_690 = vector.broadcast %jit3A_689 : i32 to vector<256x256xi32>
    %select_n3A_691 = arith.select %eq3A_688, %iota3A, %broadcast_in_dim3A_690 : vector<256x256xi1>, vector<256x256xi32>
    %reduce_min3A_692 = arith.constant dense<2147483647> : vector<256xi32>
    %reduce_min3A_693 = vector.multi_reduction <minsi>, %select_n3A_691, %reduce_min3A_692 [1] : vector<256x256xi32> to vector<256xi32>
    %broadcast_in_dim3A_694 = vector.shape_cast %reduce_min3A_693 : vector<256xi32> to vector<256x1xi32>
    %swap3A_695 = arith.constant 0 : index
    %swap3A_696 = arith.constant 35 : index
    %swap3A_697 = vector.load %arg4[%swap3A_695, %swap3A_696] : memref<256x64xi32, #tpu.memory_space<vmem>>, vector<256x1xi32>
    tpu.vector_store %arg4[%swap3A_695, %swap3A_696], %broadcast_in_dim3A_694 {strides = array<i32>} : memref<256x64xi32, #tpu.memory_space<vmem>>, vector<256x1xi32>,
    %eq3A_698 = vector.broadcast %broadcast_in_dim3A_694 : vector<256x1xi32> to vector<256x256xi32>
    %eq3A_699 = arith.cmpi eq, %iota3A, %eq3A_698 : vector<256x256xi32>
    %jit3A_700 = arith.constant 0xFF800000 : f32
    %broadcast_in_dim3A_701 = vector.broadcast %jit3A_700 : f32 to vector<256x256xf32>
    %select_n3A_702 = arith.select %eq3A_699, %broadcast_in_dim3A_701, %select_n3A_683 : vector<256x256xi1>, vector<256x256xf32>
    %reduce_max3A_703 = arith.constant dense<0xFF800000> : vector<256xf32>
    %reduce_max3A_704 = vector.multi_reduction <maximumf>, %select_n3A_702, %reduce_max3A_703 [1] : vector<256x256xf32> to vector<256xf32>
    %broadcast_in_dim3A_705 = vector.shape_cast %reduce_max3A_704 : vector<256xf32> to vector<256x1xf32>
    %eq3A_706 = vector.broadcast %broadcast_in_dim3A_705 : vector<256x1xf32> to vector<256x256xf32>
    %eq3A_707 = arith.cmpf oeq, %select_n3A_702, %eq3A_706 : vector<256x256xf32>
    %jit3A_708 = arith.constant 256 : i32
    %broadcast_in_dim3A_709 = vector.broadcast %jit3A_708 : i32 to vector<256x256xi32>
    %select_n3A_710 = arith.select %eq3A_707, %iota3A, %broadcast_in_dim3A_709 : vector<256x256xi1>, vector<256x256xi32>
    %reduce_min3A_711 = arith.constant dense<2147483647> : vector<256xi32>
    %reduce_min3A_712 = vector.multi_reduction <minsi>, %select_n3A_710, %reduce_min3A_711 [1] : vector<256x256xi32> to vector<256xi32>
    %broadcast_in_dim3A_713 = vector.shape_cast %reduce_min3A_712 : vector<256xi32> to vector<256x1xi32>
    %swap3A_714 = arith.constant 0 : index
    %swap3A_715 = arith.constant 36 : index
    %swap3A_716 = vector.load %arg4[%swap3A_714, %swap3A_715] : memref<256x64xi32, #tpu.memory_space<vmem>>, vector<256x1xi32>
    tpu.vector_store %arg4[%swap3A_714, %swap3A_715], %broadcast_in_dim3A_713 {strides = array<i32>} : memref<256x64xi32, #tpu.memory_space<vmem>>, vector<256x1xi32>,
    %eq3A_717 = vector.broadcast %broadcast_in_dim3A_713 : vector<256x1xi32> to vector<256x256xi32>
    %eq3A_718 = arith.cmpi eq, %iota3A, %eq3A_717 : vector<256x256xi32>
    %jit3A_719 = arith.constant 0xFF800000 : f32
    %broadcast_in_dim3A_720 = vector.broadcast %jit3A_719 : f32 to vector<256x256xf32>
    %select_n3A_721 = arith.select %eq3A_718, %broadcast_in_dim3A_720, %select_n3A_702 : vector<256x256xi1>, vector<256x256xf32>
    %reduce_max3A_722 = arith.constant dense<0xFF800000> : vector<256xf32>
    %reduce_max3A_723 = vector.multi_reduction <maximumf>, %select_n3A_721, %reduce_max3A_722 [1] : vector<256x256xf32> to vector<256xf32>
    %broadcast_in_dim3A_724 = vector.shape_cast %reduce_max3A_723 : vector<256xf32> to vector<256x1xf32>
    %eq3A_725 = vector.broadcast %broadcast_in_dim3A_724 : vector<256x1xf32> to vector<256x256xf32>
    %eq3A_726 = arith.cmpf oeq, %select_n3A_721, %eq3A_725 : vector<256x256xf32>
    %jit3A_727 = arith.constant 256 : i32
    %broadcast_in_dim3A_728 = vector.broadcast %jit3A_727 : i32 to vector<256x256xi32>
    %select_n3A_729 = arith.select %eq3A_726, %iota3A, %broadcast_in_dim3A_728 : vector<256x256xi1>, vector<256x256xi32>
    %reduce_min3A_730 = arith.constant dense<2147483647> : vector<256xi32>
    %reduce_min3A_731 = vector.multi_reduction <minsi>, %select_n3A_729, %reduce_min3A_730 [1] : vector<256x256xi32> to vector<256xi32>
    %broadcast_in_dim3A_732 = vector.shape_cast %reduce_min3A_731 : vector<256xi32> to vector<256x1xi32>
    %swap3A_733 = arith.constant 0 : index
    %swap3A_734 = arith.constant 37 : index
    %swap3A_735 = vector.load %arg4[%swap3A_733, %swap3A_734] : memref<256x64xi32, #tpu.memory_space<vmem>>, vector<256x1xi32>
    tpu.vector_store %arg4[%swap3A_733, %swap3A_734], %broadcast_in_dim3A_732 {strides = array<i32>} : memref<256x64xi32, #tpu.memory_space<vmem>>, vector<256x1xi32>,
    %eq3A_736 = vector.broadcast %broadcast_in_dim3A_732 : vector<256x1xi32> to vector<256x256xi32>
    %eq3A_737 = arith.cmpi eq, %iota3A, %eq3A_736 : vector<256x256xi32>
    %jit3A_738 = arith.constant 0xFF800000 : f32
    %broadcast_in_dim3A_739 = vector.broadcast %jit3A_738 : f32 to vector<256x256xf32>
    %select_n3A_740 = arith.select %eq3A_737, %broadcast_in_dim3A_739, %select_n3A_721 : vector<256x256xi1>, vector<256x256xf32>
    %reduce_max3A_741 = arith.constant dense<0xFF800000> : vector<256xf32>
    %reduce_max3A_742 = vector.multi_reduction <maximumf>, %select_n3A_740, %reduce_max3A_741 [1] : vector<256x256xf32> to vector<256xf32>
    %broadcast_in_dim3A_743 = vector.shape_cast %reduce_max3A_742 : vector<256xf32> to vector<256x1xf32>
    %eq3A_744 = vector.broadcast %broadcast_in_dim3A_743 : vector<256x1xf32> to vector<256x256xf32>
    %eq3A_745 = arith.cmpf oeq, %select_n3A_740, %eq3A_744 : vector<256x256xf32>
    %jit3A_746 = arith.constant 256 : i32
    %broadcast_in_dim3A_747 = vector.broadcast %jit3A_746 : i32 to vector<256x256xi32>
    %select_n3A_748 = arith.select %eq3A_745, %iota3A, %broadcast_in_dim3A_747 : vector<256x256xi1>, vector<256x256xi32>
    %reduce_min3A_749 = arith.constant dense<2147483647> : vector<256xi32>
    %reduce_min3A_750 = vector.multi_reduction <minsi>, %select_n3A_748, %reduce_min3A_749 [1] : vector<256x256xi32> to vector<256xi32>
    %broadcast_in_dim3A_751 = vector.shape_cast %reduce_min3A_750 : vector<256xi32> to vector<256x1xi32>
    %swap3A_752 = arith.constant 0 : index
    %swap3A_753 = arith.constant 38 : index
    %swap3A_754 = vector.load %arg4[%swap3A_752, %swap3A_753] : memref<256x64xi32, #tpu.memory_space<vmem>>, vector<256x1xi32>
    tpu.vector_store %arg4[%swap3A_752, %swap3A_753], %broadcast_in_dim3A_751 {strides = array<i32>} : memref<256x64xi32, #tpu.memory_space<vmem>>, vector<256x1xi32>,
    %eq3A_755 = vector.broadcast %broadcast_in_dim3A_751 : vector<256x1xi32> to vector<256x256xi32>
    %eq3A_756 = arith.cmpi eq, %iota3A, %eq3A_755 : vector<256x256xi32>
    %jit3A_757 = arith.constant 0xFF800000 : f32
    %broadcast_in_dim3A_758 = vector.broadcast %jit3A_757 : f32 to vector<256x256xf32>
    %select_n3A_759 = arith.select %eq3A_756, %broadcast_in_dim3A_758, %select_n3A_740 : vector<256x256xi1>, vector<256x256xf32>
    %reduce_max3A_760 = arith.constant dense<0xFF800000> : vector<256xf32>
    %reduce_max3A_761 = vector.multi_reduction <maximumf>, %select_n3A_759, %reduce_max3A_760 [1] : vector<256x256xf32> to vector<256xf32>
    %broadcast_in_dim3A_762 = vector.shape_cast %reduce_max3A_761 : vector<256xf32> to vector<256x1xf32>
    %eq3A_763 = vector.broadcast %broadcast_in_dim3A_762 : vector<256x1xf32> to vector<256x256xf32>
    %eq3A_764 = arith.cmpf oeq, %select_n3A_759, %eq3A_763 : vector<256x256xf32>
    %jit3A_765 = arith.constant 256 : i32
    %broadcast_in_dim3A_766 = vector.broadcast %jit3A_765 : i32 to vector<256x256xi32>
    %select_n3A_767 = arith.select %eq3A_764, %iota3A, %broadcast_in_dim3A_766 : vector<256x256xi1>, vector<256x256xi32>
    %reduce_min3A_768 = arith.constant dense<2147483647> : vector<256xi32>
    %reduce_min3A_769 = vector.multi_reduction <minsi>, %select_n3A_767, %reduce_min3A_768 [1] : vector<256x256xi32> to vector<256xi32>
    %broadcast_in_dim3A_770 = vector.shape_cast %reduce_min3A_769 : vector<256xi32> to vector<256x1xi32>
    %swap3A_771 = arith.constant 0 : index
    %swap3A_772 = arith.constant 39 : index
    %swap3A_773 = vector.load %arg4[%swap3A_771, %swap3A_772] : memref<256x64xi32, #tpu.memory_space<vmem>>, vector<256x1xi32>
    tpu.vector_store %arg4[%swap3A_771, %swap3A_772], %broadcast_in_dim3A_770 {strides = array<i32>} : memref<256x64xi32, #tpu.memory_space<vmem>>, vector<256x1xi32>,
    %eq3A_774 = vector.broadcast %broadcast_in_dim3A_770 : vector<256x1xi32> to vector<256x256xi32>
    %eq3A_775 = arith.cmpi eq, %iota3A, %eq3A_774 : vector<256x256xi32>
    %jit3A_776 = arith.constant 0xFF800000 : f32
    %broadcast_in_dim3A_777 = vector.broadcast %jit3A_776 : f32 to vector<256x256xf32>
    %select_n3A_778 = arith.select %eq3A_775, %broadcast_in_dim3A_777, %select_n3A_759 : vector<256x256xi1>, vector<256x256xf32>
    %reduce_max3A_779 = arith.constant dense<0xFF800000> : vector<256xf32>
    %reduce_max3A_780 = vector.multi_reduction <maximumf>, %select_n3A_778, %reduce_max3A_779 [1] : vector<256x256xf32> to vector<256xf32>
    %broadcast_in_dim3A_781 = vector.shape_cast %reduce_max3A_780 : vector<256xf32> to vector<256x1xf32>
    %eq3A_782 = vector.broadcast %broadcast_in_dim3A_781 : vector<256x1xf32> to vector<256x256xf32>
    %eq3A_783 = arith.cmpf oeq, %select_n3A_778, %eq3A_782 : vector<256x256xf32>
    %jit3A_784 = arith.constant 256 : i32
    %broadcast_in_dim3A_785 = vector.broadcast %jit3A_784 : i32 to vector<256x256xi32>
    %select_n3A_786 = arith.select %eq3A_783, %iota3A, %broadcast_in_dim3A_785 : vector<256x256xi1>, vector<256x256xi32>
    %reduce_min3A_787 = arith.constant dense<2147483647> : vector<256xi32>
    %reduce_min3A_788 = vector.multi_reduction <minsi>, %select_n3A_786, %reduce_min3A_787 [1] : vector<256x256xi32> to vector<256xi32>
    %broadcast_in_dim3A_789 = vector.shape_cast %reduce_min3A_788 : vector<256xi32> to vector<256x1xi32>
    %swap3A_790 = arith.constant 0 : index
    %swap3A_791 = arith.constant 40 : index
    %swap3A_792 = vector.load %arg4[%swap3A_790, %swap3A_791] : memref<256x64xi32, #tpu.memory_space<vmem>>, vector<256x1xi32>
    tpu.vector_store %arg4[%swap3A_790, %swap3A_791], %broadcast_in_dim3A_789 {strides = array<i32>} : memref<256x64xi32, #tpu.memory_space<vmem>>, vector<256x1xi32>,
    %eq3A_793 = vector.broadcast %broadcast_in_dim3A_789 : vector<256x1xi32> to vector<256x256xi32>
    %eq3A_794 = arith.cmpi eq, %iota3A, %eq3A_793 : vector<256x256xi32>
    %jit3A_795 = arith.constant 0xFF800000 : f32
    %broadcast_in_dim3A_796 = vector.broadcast %jit3A_795 : f32 to vector<256x256xf32>
    %select_n3A_797 = arith.select %eq3A_794, %broadcast_in_dim3A_796, %select_n3A_778 : vector<256x256xi1>, vector<256x256xf32>
    %reduce_max3A_798 = arith.constant dense<0xFF800000> : vector<256xf32>
    %reduce_max3A_799 = vector.multi_reduction <maximumf>, %select_n3A_797, %reduce_max3A_798 [1] : vector<256x256xf32> to vector<256xf32>
    %broadcast_in_dim3A_800 = vector.shape_cast %reduce_max3A_799 : vector<256xf32> to vector<256x1xf32>
    %eq3A_801 = vector.broadcast %broadcast_in_dim3A_800 : vector<256x1xf32> to vector<256x256xf32>
    %eq3A_802 = arith.cmpf oeq, %select_n3A_797, %eq3A_801 : vector<256x256xf32>
    %jit3A_803 = arith.constant 256 : i32
    %broadcast_in_dim3A_804 = vector.broadcast %jit3A_803 : i32 to vector<256x256xi32>
    %select_n3A_805 = arith.select %eq3A_802, %iota3A, %broadcast_in_dim3A_804 : vector<256x256xi1>, vector<256x256xi32>
    %reduce_min3A_806 = arith.constant dense<2147483647> : vector<256xi32>
    %reduce_min3A_807 = vector.multi_reduction <minsi>, %select_n3A_805, %reduce_min3A_806 [1] : vector<256x256xi32> to vector<256xi32>
    %broadcast_in_dim3A_808 = vector.shape_cast %reduce_min3A_807 : vector<256xi32> to vector<256x1xi32>
    %swap3A_809 = arith.constant 0 : index
    %swap3A_810 = arith.constant 41 : index
    %swap3A_811 = vector.load %arg4[%swap3A_809, %swap3A_810] : memref<256x64xi32, #tpu.memory_space<vmem>>, vector<256x1xi32>
    tpu.vector_store %arg4[%swap3A_809, %swap3A_810], %broadcast_in_dim3A_808 {strides = array<i32>} : memref<256x64xi32, #tpu.memory_space<vmem>>, vector<256x1xi32>,
    %eq3A_812 = vector.broadcast %broadcast_in_dim3A_808 : vector<256x1xi32> to vector<256x256xi32>
    %eq3A_813 = arith.cmpi eq, %iota3A, %eq3A_812 : vector<256x256xi32>
    %jit3A_814 = arith.constant 0xFF800000 : f32
    %broadcast_in_dim3A_815 = vector.broadcast %jit3A_814 : f32 to vector<256x256xf32>
    %select_n3A_816 = arith.select %eq3A_813, %broadcast_in_dim3A_815, %select_n3A_797 : vector<256x256xi1>, vector<256x256xf32>
    %reduce_max3A_817 = arith.constant dense<0xFF800000> : vector<256xf32>
    %reduce_max3A_818 = vector.multi_reduction <maximumf>, %select_n3A_816, %reduce_max3A_817 [1] : vector<256x256xf32> to vector<256xf32>
    %broadcast_in_dim3A_819 = vector.shape_cast %reduce_max3A_818 : vector<256xf32> to vector<256x1xf32>
    %eq3A_820 = vector.broadcast %broadcast_in_dim3A_819 : vector<256x1xf32> to vector<256x256xf32>
    %eq3A_821 = arith.cmpf oeq, %select_n3A_816, %eq3A_820 : vector<256x256xf32>
    %jit3A_822 = arith.constant 256 : i32
    %broadcast_in_dim3A_823 = vector.broadcast %jit3A_822 : i32 to vector<256x256xi32>
    %select_n3A_824 = arith.select %eq3A_821, %iota3A, %broadcast_in_dim3A_823 : vector<256x256xi1>, vector<256x256xi32>
    %reduce_min3A_825 = arith.constant dense<2147483647> : vector<256xi32>
    %reduce_min3A_826 = vector.multi_reduction <minsi>, %select_n3A_824, %reduce_min3A_825 [1] : vector<256x256xi32> to vector<256xi32>
    %broadcast_in_dim3A_827 = vector.shape_cast %reduce_min3A_826 : vector<256xi32> to vector<256x1xi32>
    %swap3A_828 = arith.constant 0 : index
    %swap3A_829 = arith.constant 42 : index
    %swap3A_830 = vector.load %arg4[%swap3A_828, %swap3A_829] : memref<256x64xi32, #tpu.memory_space<vmem>>, vector<256x1xi32>
    tpu.vector_store %arg4[%swap3A_828, %swap3A_829], %broadcast_in_dim3A_827 {strides = array<i32>} : memref<256x64xi32, #tpu.memory_space<vmem>>, vector<256x1xi32>,
    %eq3A_831 = vector.broadcast %broadcast_in_dim3A_827 : vector<256x1xi32> to vector<256x256xi32>
    %eq3A_832 = arith.cmpi eq, %iota3A, %eq3A_831 : vector<256x256xi32>
    %jit3A_833 = arith.constant 0xFF800000 : f32
    %broadcast_in_dim3A_834 = vector.broadcast %jit3A_833 : f32 to vector<256x256xf32>
    %select_n3A_835 = arith.select %eq3A_832, %broadcast_in_dim3A_834, %select_n3A_816 : vector<256x256xi1>, vector<256x256xf32>
    %reduce_max3A_836 = arith.constant dense<0xFF800000> : vector<256xf32>
    %reduce_max3A_837 = vector.multi_reduction <maximumf>, %select_n3A_835, %reduce_max3A_836 [1] : vector<256x256xf32> to vector<256xf32>
    %broadcast_in_dim3A_838 = vector.shape_cast %reduce_max3A_837 : vector<256xf32> to vector<256x1xf32>
    %eq3A_839 = vector.broadcast %broadcast_in_dim3A_838 : vector<256x1xf32> to vector<256x256xf32>
    %eq3A_840 = arith.cmpf oeq, %select_n3A_835, %eq3A_839 : vector<256x256xf32>
    %jit3A_841 = arith.constant 256 : i32
    %broadcast_in_dim3A_842 = vector.broadcast %jit3A_841 : i32 to vector<256x256xi32>
    %select_n3A_843 = arith.select %eq3A_840, %iota3A, %broadcast_in_dim3A_842 : vector<256x256xi1>, vector<256x256xi32>
    %reduce_min3A_844 = arith.constant dense<2147483647> : vector<256xi32>
    %reduce_min3A_845 = vector.multi_reduction <minsi>, %select_n3A_843, %reduce_min3A_844 [1] : vector<256x256xi32> to vector<256xi32>
    %broadcast_in_dim3A_846 = vector.shape_cast %reduce_min3A_845 : vector<256xi32> to vector<256x1xi32>
    %swap3A_847 = arith.constant 0 : index
    %swap3A_848 = arith.constant 43 : index
    %swap3A_849 = vector.load %arg4[%swap3A_847, %swap3A_848] : memref<256x64xi32, #tpu.memory_space<vmem>>, vector<256x1xi32>
    tpu.vector_store %arg4[%swap3A_847, %swap3A_848], %broadcast_in_dim3A_846 {strides = array<i32>} : memref<256x64xi32, #tpu.memory_space<vmem>>, vector<256x1xi32>,
    %eq3A_850 = vector.broadcast %broadcast_in_dim3A_846 : vector<256x1xi32> to vector<256x256xi32>
    %eq3A_851 = arith.cmpi eq, %iota3A, %eq3A_850 : vector<256x256xi32>
    %jit3A_852 = arith.constant 0xFF800000 : f32
    %broadcast_in_dim3A_853 = vector.broadcast %jit3A_852 : f32 to vector<256x256xf32>
    %select_n3A_854 = arith.select %eq3A_851, %broadcast_in_dim3A_853, %select_n3A_835 : vector<256x256xi1>, vector<256x256xf32>
    %reduce_max3A_855 = arith.constant dense<0xFF800000> : vector<256xf32>
    %reduce_max3A_856 = vector.multi_reduction <maximumf>, %select_n3A_854, %reduce_max3A_855 [1] : vector<256x256xf32> to vector<256xf32>
    %broadcast_in_dim3A_857 = vector.shape_cast %reduce_max3A_856 : vector<256xf32> to vector<256x1xf32>
    %eq3A_858 = vector.broadcast %broadcast_in_dim3A_857 : vector<256x1xf32> to vector<256x256xf32>
    %eq3A_859 = arith.cmpf oeq, %select_n3A_854, %eq3A_858 : vector<256x256xf32>
    %jit3A_860 = arith.constant 256 : i32
    %broadcast_in_dim3A_861 = vector.broadcast %jit3A_860 : i32 to vector<256x256xi32>
    %select_n3A_862 = arith.select %eq3A_859, %iota3A, %broadcast_in_dim3A_861 : vector<256x256xi1>, vector<256x256xi32>
    %reduce_min3A_863 = arith.constant dense<2147483647> : vector<256xi32>
    %reduce_min3A_864 = vector.multi_reduction <minsi>, %select_n3A_862, %reduce_min3A_863 [1] : vector<256x256xi32> to vector<256xi32>
    %broadcast_in_dim3A_865 = vector.shape_cast %reduce_min3A_864 : vector<256xi32> to vector<256x1xi32>
    %swap3A_866 = arith.constant 0 : index
    %swap3A_867 = arith.constant 44 : index
    %swap3A_868 = vector.load %arg4[%swap3A_866, %swap3A_867] : memref<256x64xi32, #tpu.memory_space<vmem>>, vector<256x1xi32>
    tpu.vector_store %arg4[%swap3A_866, %swap3A_867], %broadcast_in_dim3A_865 {strides = array<i32>} : memref<256x64xi32, #tpu.memory_space<vmem>>, vector<256x1xi32>,
    %eq3A_869 = vector.broadcast %broadcast_in_dim3A_865 : vector<256x1xi32> to vector<256x256xi32>
    %eq3A_870 = arith.cmpi eq, %iota3A, %eq3A_869 : vector<256x256xi32>
    %jit3A_871 = arith.constant 0xFF800000 : f32
    %broadcast_in_dim3A_872 = vector.broadcast %jit3A_871 : f32 to vector<256x256xf32>
    %select_n3A_873 = arith.select %eq3A_870, %broadcast_in_dim3A_872, %select_n3A_854 : vector<256x256xi1>, vector<256x256xf32>
    %reduce_max3A_874 = arith.constant dense<0xFF800000> : vector<256xf32>
    %reduce_max3A_875 = vector.multi_reduction <maximumf>, %select_n3A_873, %reduce_max3A_874 [1] : vector<256x256xf32> to vector<256xf32>
    %broadcast_in_dim3A_876 = vector.shape_cast %reduce_max3A_875 : vector<256xf32> to vector<256x1xf32>
    %eq3A_877 = vector.broadcast %broadcast_in_dim3A_876 : vector<256x1xf32> to vector<256x256xf32>
    %eq3A_878 = arith.cmpf oeq, %select_n3A_873, %eq3A_877 : vector<256x256xf32>
    %jit3A_879 = arith.constant 256 : i32
    %broadcast_in_dim3A_880 = vector.broadcast %jit3A_879 : i32 to vector<256x256xi32>
    %select_n3A_881 = arith.select %eq3A_878, %iota3A, %broadcast_in_dim3A_880 : vector<256x256xi1>, vector<256x256xi32>
    %reduce_min3A_882 = arith.constant dense<2147483647> : vector<256xi32>
    %reduce_min3A_883 = vector.multi_reduction <minsi>, %select_n3A_881, %reduce_min3A_882 [1] : vector<256x256xi32> to vector<256xi32>
    %broadcast_in_dim3A_884 = vector.shape_cast %reduce_min3A_883 : vector<256xi32> to vector<256x1xi32>
    %swap3A_885 = arith.constant 0 : index
    %swap3A_886 = arith.constant 45 : index
    %swap3A_887 = vector.load %arg4[%swap3A_885, %swap3A_886] : memref<256x64xi32, #tpu.memory_space<vmem>>, vector<256x1xi32>
    tpu.vector_store %arg4[%swap3A_885, %swap3A_886], %broadcast_in_dim3A_884 {strides = array<i32>} : memref<256x64xi32, #tpu.memory_space<vmem>>, vector<256x1xi32>,
    %eq3A_888 = vector.broadcast %broadcast_in_dim3A_884 : vector<256x1xi32> to vector<256x256xi32>
    %eq3A_889 = arith.cmpi eq, %iota3A, %eq3A_888 : vector<256x256xi32>
    %jit3A_890 = arith.constant 0xFF800000 : f32
    %broadcast_in_dim3A_891 = vector.broadcast %jit3A_890 : f32 to vector<256x256xf32>
    %select_n3A_892 = arith.select %eq3A_889, %broadcast_in_dim3A_891, %select_n3A_873 : vector<256x256xi1>, vector<256x256xf32>
    %reduce_max3A_893 = arith.constant dense<0xFF800000> : vector<256xf32>
    %reduce_max3A_894 = vector.multi_reduction <maximumf>, %select_n3A_892, %reduce_max3A_893 [1] : vector<256x256xf32> to vector<256xf32>
    %broadcast_in_dim3A_895 = vector.shape_cast %reduce_max3A_894 : vector<256xf32> to vector<256x1xf32>
    %eq3A_896 = vector.broadcast %broadcast_in_dim3A_895 : vector<256x1xf32> to vector<256x256xf32>
    %eq3A_897 = arith.cmpf oeq, %select_n3A_892, %eq3A_896 : vector<256x256xf32>
    %jit3A_898 = arith.constant 256 : i32
    %broadcast_in_dim3A_899 = vector.broadcast %jit3A_898 : i32 to vector<256x256xi32>
    %select_n3A_900 = arith.select %eq3A_897, %iota3A, %broadcast_in_dim3A_899 : vector<256x256xi1>, vector<256x256xi32>
    %reduce_min3A_901 = arith.constant dense<2147483647> : vector<256xi32>
    %reduce_min3A_902 = vector.multi_reduction <minsi>, %select_n3A_900, %reduce_min3A_901 [1] : vector<256x256xi32> to vector<256xi32>
    %broadcast_in_dim3A_903 = vector.shape_cast %reduce_min3A_902 : vector<256xi32> to vector<256x1xi32>
    %swap3A_904 = arith.constant 0 : index
    %swap3A_905 = arith.constant 46 : index
    %swap3A_906 = vector.load %arg4[%swap3A_904, %swap3A_905] : memref<256x64xi32, #tpu.memory_space<vmem>>, vector<256x1xi32>
    tpu.vector_store %arg4[%swap3A_904, %swap3A_905], %broadcast_in_dim3A_903 {strides = array<i32>} : memref<256x64xi32, #tpu.memory_space<vmem>>, vector<256x1xi32>,
    %eq3A_907 = vector.broadcast %broadcast_in_dim3A_903 : vector<256x1xi32> to vector<256x256xi32>
    %eq3A_908 = arith.cmpi eq, %iota3A, %eq3A_907 : vector<256x256xi32>
    %jit3A_909 = arith.constant 0xFF800000 : f32
    %broadcast_in_dim3A_910 = vector.broadcast %jit3A_909 : f32 to vector<256x256xf32>
    %select_n3A_911 = arith.select %eq3A_908, %broadcast_in_dim3A_910, %select_n3A_892 : vector<256x256xi1>, vector<256x256xf32>
    %reduce_max3A_912 = arith.constant dense<0xFF800000> : vector<256xf32>
    %reduce_max3A_913 = vector.multi_reduction <maximumf>, %select_n3A_911, %reduce_max3A_912 [1] : vector<256x256xf32> to vector<256xf32>
    %broadcast_in_dim3A_914 = vector.shape_cast %reduce_max3A_913 : vector<256xf32> to vector<256x1xf32>
    %eq3A_915 = vector.broadcast %broadcast_in_dim3A_914 : vector<256x1xf32> to vector<256x256xf32>
    %eq3A_916 = arith.cmpf oeq, %select_n3A_911, %eq3A_915 : vector<256x256xf32>
    %jit3A_917 = arith.constant 256 : i32
    %broadcast_in_dim3A_918 = vector.broadcast %jit3A_917 : i32 to vector<256x256xi32>
    %select_n3A_919 = arith.select %eq3A_916, %iota3A, %broadcast_in_dim3A_918 : vector<256x256xi1>, vector<256x256xi32>
    %reduce_min3A_920 = arith.constant dense<2147483647> : vector<256xi32>
    %reduce_min3A_921 = vector.multi_reduction <minsi>, %select_n3A_919, %reduce_min3A_920 [1] : vector<256x256xi32> to vector<256xi32>
    %broadcast_in_dim3A_922 = vector.shape_cast %reduce_min3A_921 : vector<256xi32> to vector<256x1xi32>
    %swap3A_923 = arith.constant 0 : index
    %swap3A_924 = arith.constant 47 : index
    %swap3A_925 = vector.load %arg4[%swap3A_923, %swap3A_924] : memref<256x64xi32, #tpu.memory_space<vmem>>, vector<256x1xi32>
    tpu.vector_store %arg4[%swap3A_923, %swap3A_924], %broadcast_in_dim3A_922 {strides = array<i32>} : memref<256x64xi32, #tpu.memory_space<vmem>>, vector<256x1xi32>,
    %eq3A_926 = vector.broadcast %broadcast_in_dim3A_922 : vector<256x1xi32> to vector<256x256xi32>
    %eq3A_927 = arith.cmpi eq, %iota3A, %eq3A_926 : vector<256x256xi32>
    %jit3A_928 = arith.constant 0xFF800000 : f32
    %broadcast_in_dim3A_929 = vector.broadcast %jit3A_928 : f32 to vector<256x256xf32>
    %select_n3A_930 = arith.select %eq3A_927, %broadcast_in_dim3A_929, %select_n3A_911 : vector<256x256xi1>, vector<256x256xf32>
    %reduce_max3A_931 = arith.constant dense<0xFF800000> : vector<256xf32>
    %reduce_max3A_932 = vector.multi_reduction <maximumf>, %select_n3A_930, %reduce_max3A_931 [1] : vector<256x256xf32> to vector<256xf32>
    %broadcast_in_dim3A_933 = vector.shape_cast %reduce_max3A_932 : vector<256xf32> to vector<256x1xf32>
    %eq3A_934 = vector.broadcast %broadcast_in_dim3A_933 : vector<256x1xf32> to vector<256x256xf32>
    %eq3A_935 = arith.cmpf oeq, %select_n3A_930, %eq3A_934 : vector<256x256xf32>
    %jit3A_936 = arith.constant 256 : i32
    %broadcast_in_dim3A_937 = vector.broadcast %jit3A_936 : i32 to vector<256x256xi32>
    %select_n3A_938 = arith.select %eq3A_935, %iota3A, %broadcast_in_dim3A_937 : vector<256x256xi1>, vector<256x256xi32>
    %reduce_min3A_939 = arith.constant dense<2147483647> : vector<256xi32>
    %reduce_min3A_940 = vector.multi_reduction <minsi>, %select_n3A_938, %reduce_min3A_939 [1] : vector<256x256xi32> to vector<256xi32>
    %broadcast_in_dim3A_941 = vector.shape_cast %reduce_min3A_940 : vector<256xi32> to vector<256x1xi32>
    %swap3A_942 = arith.constant 0 : index
    %swap3A_943 = arith.constant 48 : index
    %swap3A_944 = vector.load %arg4[%swap3A_942, %swap3A_943] : memref<256x64xi32, #tpu.memory_space<vmem>>, vector<256x1xi32>
    tpu.vector_store %arg4[%swap3A_942, %swap3A_943], %broadcast_in_dim3A_941 {strides = array<i32>} : memref<256x64xi32, #tpu.memory_space<vmem>>, vector<256x1xi32>,
    %eq3A_945 = vector.broadcast %broadcast_in_dim3A_941 : vector<256x1xi32> to vector<256x256xi32>
    %eq3A_946 = arith.cmpi eq, %iota3A, %eq3A_945 : vector<256x256xi32>
    %jit3A_947 = arith.constant 0xFF800000 : f32
    %broadcast_in_dim3A_948 = vector.broadcast %jit3A_947 : f32 to vector<256x256xf32>
    %select_n3A_949 = arith.select %eq3A_946, %broadcast_in_dim3A_948, %select_n3A_930 : vector<256x256xi1>, vector<256x256xf32>
    %reduce_max3A_950 = arith.constant dense<0xFF800000> : vector<256xf32>
    %reduce_max3A_951 = vector.multi_reduction <maximumf>, %select_n3A_949, %reduce_max3A_950 [1] : vector<256x256xf32> to vector<256xf32>
    %broadcast_in_dim3A_952 = vector.shape_cast %reduce_max3A_951 : vector<256xf32> to vector<256x1xf32>
    %eq3A_953 = vector.broadcast %broadcast_in_dim3A_952 : vector<256x1xf32> to vector<256x256xf32>
    %eq3A_954 = arith.cmpf oeq, %select_n3A_949, %eq3A_953 : vector<256x256xf32>
    %jit3A_955 = arith.constant 256 : i32
    %broadcast_in_dim3A_956 = vector.broadcast %jit3A_955 : i32 to vector<256x256xi32>
    %select_n3A_957 = arith.select %eq3A_954, %iota3A, %broadcast_in_dim3A_956 : vector<256x256xi1>, vector<256x256xi32>
    %reduce_min3A_958 = arith.constant dense<2147483647> : vector<256xi32>
    %reduce_min3A_959 = vector.multi_reduction <minsi>, %select_n3A_957, %reduce_min3A_958 [1] : vector<256x256xi32> to vector<256xi32>
    %broadcast_in_dim3A_960 = vector.shape_cast %reduce_min3A_959 : vector<256xi32> to vector<256x1xi32>
    %swap3A_961 = arith.constant 0 : index
    %swap3A_962 = arith.constant 49 : index
    %swap3A_963 = vector.load %arg4[%swap3A_961, %swap3A_962] : memref<256x64xi32, #tpu.memory_space<vmem>>, vector<256x1xi32>
    tpu.vector_store %arg4[%swap3A_961, %swap3A_962], %broadcast_in_dim3A_960 {strides = array<i32>} : memref<256x64xi32, #tpu.memory_space<vmem>>, vector<256x1xi32>,
    %eq3A_964 = vector.broadcast %broadcast_in_dim3A_960 : vector<256x1xi32> to vector<256x256xi32>
    %eq3A_965 = arith.cmpi eq, %iota3A, %eq3A_964 : vector<256x256xi32>
    %jit3A_966 = arith.constant 0xFF800000 : f32
    %broadcast_in_dim3A_967 = vector.broadcast %jit3A_966 : f32 to vector<256x256xf32>
    %select_n3A_968 = arith.select %eq3A_965, %broadcast_in_dim3A_967, %select_n3A_949 : vector<256x256xi1>, vector<256x256xf32>
    %reduce_max3A_969 = arith.constant dense<0xFF800000> : vector<256xf32>
    %reduce_max3A_970 = vector.multi_reduction <maximumf>, %select_n3A_968, %reduce_max3A_969 [1] : vector<256x256xf32> to vector<256xf32>
    %broadcast_in_dim3A_971 = vector.shape_cast %reduce_max3A_970 : vector<256xf32> to vector<256x1xf32>
    %eq3A_972 = vector.broadcast %broadcast_in_dim3A_971 : vector<256x1xf32> to vector<256x256xf32>
    %eq3A_973 = arith.cmpf oeq, %select_n3A_968, %eq3A_972 : vector<256x256xf32>
    %jit3A_974 = arith.constant 256 : i32
    %broadcast_in_dim3A_975 = vector.broadcast %jit3A_974 : i32 to vector<256x256xi32>
    %select_n3A_976 = arith.select %eq3A_973, %iota3A, %broadcast_in_dim3A_975 : vector<256x256xi1>, vector<256x256xi32>
    %reduce_min3A_977 = arith.constant dense<2147483647> : vector<256xi32>
    %reduce_min3A_978 = vector.multi_reduction <minsi>, %select_n3A_976, %reduce_min3A_977 [1] : vector<256x256xi32> to vector<256xi32>
    %broadcast_in_dim3A_979 = vector.shape_cast %reduce_min3A_978 : vector<256xi32> to vector<256x1xi32>
    %swap3A_980 = arith.constant 0 : index
    %swap3A_981 = arith.constant 50 : index
    %swap3A_982 = vector.load %arg4[%swap3A_980, %swap3A_981] : memref<256x64xi32, #tpu.memory_space<vmem>>, vector<256x1xi32>
    tpu.vector_store %arg4[%swap3A_980, %swap3A_981], %broadcast_in_dim3A_979 {strides = array<i32>} : memref<256x64xi32, #tpu.memory_space<vmem>>, vector<256x1xi32>,
    %eq3A_983 = vector.broadcast %broadcast_in_dim3A_979 : vector<256x1xi32> to vector<256x256xi32>
    %eq3A_984 = arith.cmpi eq, %iota3A, %eq3A_983 : vector<256x256xi32>
    %jit3A_985 = arith.constant 0xFF800000 : f32
    %broadcast_in_dim3A_986 = vector.broadcast %jit3A_985 : f32 to vector<256x256xf32>
    %select_n3A_987 = arith.select %eq3A_984, %broadcast_in_dim3A_986, %select_n3A_968 : vector<256x256xi1>, vector<256x256xf32>
    %reduce_max3A_988 = arith.constant dense<0xFF800000> : vector<256xf32>
    %reduce_max3A_989 = vector.multi_reduction <maximumf>, %select_n3A_987, %reduce_max3A_988 [1] : vector<256x256xf32> to vector<256xf32>
    %broadcast_in_dim3A_990 = vector.shape_cast %reduce_max3A_989 : vector<256xf32> to vector<256x1xf32>
    %eq3A_991 = vector.broadcast %broadcast_in_dim3A_990 : vector<256x1xf32> to vector<256x256xf32>
    %eq3A_992 = arith.cmpf oeq, %select_n3A_987, %eq3A_991 : vector<256x256xf32>
    %jit3A_993 = arith.constant 256 : i32
    %broadcast_in_dim3A_994 = vector.broadcast %jit3A_993 : i32 to vector<256x256xi32>
    %select_n3A_995 = arith.select %eq3A_992, %iota3A, %broadcast_in_dim3A_994 : vector<256x256xi1>, vector<256x256xi32>
    %reduce_min3A_996 = arith.constant dense<2147483647> : vector<256xi32>
    %reduce_min3A_997 = vector.multi_reduction <minsi>, %select_n3A_995, %reduce_min3A_996 [1] : vector<256x256xi32> to vector<256xi32>
    %broadcast_in_dim3A_998 = vector.shape_cast %reduce_min3A_997 : vector<256xi32> to vector<256x1xi32>
    %swap3A_999 = arith.constant 0 : index
    %swap3A_1000 = arith.constant 51 : index
    %swap3A_1001 = vector.load %arg4[%swap3A_999, %swap3A_1000] : memref<256x64xi32, #tpu.memory_space<vmem>>, vector<256x1xi32>
    tpu.vector_store %arg4[%swap3A_999, %swap3A_1000], %broadcast_in_dim3A_998 {strides = array<i32>} : memref<256x64xi32, #tpu.memory_space<vmem>>, vector<256x1xi32>,
    %eq3A_1002 = vector.broadcast %broadcast_in_dim3A_998 : vector<256x1xi32> to vector<256x256xi32>
    %eq3A_1003 = arith.cmpi eq, %iota3A, %eq3A_1002 : vector<256x256xi32>
    %jit3A_1004 = arith.constant 0xFF800000 : f32
    %broadcast_in_dim3A_1005 = vector.broadcast %jit3A_1004 : f32 to vector<256x256xf32>
    %select_n3A_1006 = arith.select %eq3A_1003, %broadcast_in_dim3A_1005, %select_n3A_987 : vector<256x256xi1>, vector<256x256xf32>
    %reduce_max3A_1007 = arith.constant dense<0xFF800000> : vector<256xf32>
    %reduce_max3A_1008 = vector.multi_reduction <maximumf>, %select_n3A_1006, %reduce_max3A_1007 [1] : vector<256x256xf32> to vector<256xf32>
    %broadcast_in_dim3A_1009 = vector.shape_cast %reduce_max3A_1008 : vector<256xf32> to vector<256x1xf32>
    %eq3A_1010 = vector.broadcast %broadcast_in_dim3A_1009 : vector<256x1xf32> to vector<256x256xf32>
    %eq3A_1011 = arith.cmpf oeq, %select_n3A_1006, %eq3A_1010 : vector<256x256xf32>
    %jit3A_1012 = arith.constant 256 : i32
    %broadcast_in_dim3A_1013 = vector.broadcast %jit3A_1012 : i32 to vector<256x256xi32>
    %select_n3A_1014 = arith.select %eq3A_1011, %iota3A, %broadcast_in_dim3A_1013 : vector<256x256xi1>, vector<256x256xi32>
    %reduce_min3A_1015 = arith.constant dense<2147483647> : vector<256xi32>
    %reduce_min3A_1016 = vector.multi_reduction <minsi>, %select_n3A_1014, %reduce_min3A_1015 [1] : vector<256x256xi32> to vector<256xi32>
    %broadcast_in_dim3A_1017 = vector.shape_cast %reduce_min3A_1016 : vector<256xi32> to vector<256x1xi32>
    %swap3A_1018 = arith.constant 0 : index
    %swap3A_1019 = arith.constant 52 : index
    %swap3A_1020 = vector.load %arg4[%swap3A_1018, %swap3A_1019] : memref<256x64xi32, #tpu.memory_space<vmem>>, vector<256x1xi32>
    tpu.vector_store %arg4[%swap3A_1018, %swap3A_1019], %broadcast_in_dim3A_1017 {strides = array<i32>} : memref<256x64xi32, #tpu.memory_space<vmem>>, vector<256x1xi32>,
    %eq3A_1021 = vector.broadcast %broadcast_in_dim3A_1017 : vector<256x1xi32> to vector<256x256xi32>
    %eq3A_1022 = arith.cmpi eq, %iota3A, %eq3A_1021 : vector<256x256xi32>
    %jit3A_1023 = arith.constant 0xFF800000 : f32
    %broadcast_in_dim3A_1024 = vector.broadcast %jit3A_1023 : f32 to vector<256x256xf32>
    %select_n3A_1025 = arith.select %eq3A_1022, %broadcast_in_dim3A_1024, %select_n3A_1006 : vector<256x256xi1>, vector<256x256xf32>
    %reduce_max3A_1026 = arith.constant dense<0xFF800000> : vector<256xf32>
    %reduce_max3A_1027 = vector.multi_reduction <maximumf>, %select_n3A_1025, %reduce_max3A_1026 [1] : vector<256x256xf32> to vector<256xf32>
    %broadcast_in_dim3A_1028 = vector.shape_cast %reduce_max3A_1027 : vector<256xf32> to vector<256x1xf32>
    %eq3A_1029 = vector.broadcast %broadcast_in_dim3A_1028 : vector<256x1xf32> to vector<256x256xf32>
    %eq3A_1030 = arith.cmpf oeq, %select_n3A_1025, %eq3A_1029 : vector<256x256xf32>
    %jit3A_1031 = arith.constant 256 : i32
    %broadcast_in_dim3A_1032 = vector.broadcast %jit3A_1031 : i32 to vector<256x256xi32>
    %select_n3A_1033 = arith.select %eq3A_1030, %iota3A, %broadcast_in_dim3A_1032 : vector<256x256xi1>, vector<256x256xi32>
    %reduce_min3A_1034 = arith.constant dense<2147483647> : vector<256xi32>
    %reduce_min3A_1035 = vector.multi_reduction <minsi>, %select_n3A_1033, %reduce_min3A_1034 [1] : vector<256x256xi32> to vector<256xi32>
    %broadcast_in_dim3A_1036 = vector.shape_cast %reduce_min3A_1035 : vector<256xi32> to vector<256x1xi32>
    %swap3A_1037 = arith.constant 0 : index
    %swap3A_1038 = arith.constant 53 : index
    %swap3A_1039 = vector.load %arg4[%swap3A_1037, %swap3A_1038] : memref<256x64xi32, #tpu.memory_space<vmem>>, vector<256x1xi32>
    tpu.vector_store %arg4[%swap3A_1037, %swap3A_1038], %broadcast_in_dim3A_1036 {strides = array<i32>} : memref<256x64xi32, #tpu.memory_space<vmem>>, vector<256x1xi32>,
    %eq3A_1040 = vector.broadcast %broadcast_in_dim3A_1036 : vector<256x1xi32> to vector<256x256xi32>
    %eq3A_1041 = arith.cmpi eq, %iota3A, %eq3A_1040 : vector<256x256xi32>
    %jit3A_1042 = arith.constant 0xFF800000 : f32
    %broadcast_in_dim3A_1043 = vector.broadcast %jit3A_1042 : f32 to vector<256x256xf32>
    %select_n3A_1044 = arith.select %eq3A_1041, %broadcast_in_dim3A_1043, %select_n3A_1025 : vector<256x256xi1>, vector<256x256xf32>
    %reduce_max3A_1045 = arith.constant dense<0xFF800000> : vector<256xf32>
    %reduce_max3A_1046 = vector.multi_reduction <maximumf>, %select_n3A_1044, %reduce_max3A_1045 [1] : vector<256x256xf32> to vector<256xf32>
    %broadcast_in_dim3A_1047 = vector.shape_cast %reduce_max3A_1046 : vector<256xf32> to vector<256x1xf32>
    %eq3A_1048 = vector.broadcast %broadcast_in_dim3A_1047 : vector<256x1xf32> to vector<256x256xf32>
    %eq3A_1049 = arith.cmpf oeq, %select_n3A_1044, %eq3A_1048 : vector<256x256xf32>
    %jit3A_1050 = arith.constant 256 : i32
    %broadcast_in_dim3A_1051 = vector.broadcast %jit3A_1050 : i32 to vector<256x256xi32>
    %select_n3A_1052 = arith.select %eq3A_1049, %iota3A, %broadcast_in_dim3A_1051 : vector<256x256xi1>, vector<256x256xi32>
    %reduce_min3A_1053 = arith.constant dense<2147483647> : vector<256xi32>
    %reduce_min3A_1054 = vector.multi_reduction <minsi>, %select_n3A_1052, %reduce_min3A_1053 [1] : vector<256x256xi32> to vector<256xi32>
    %broadcast_in_dim3A_1055 = vector.shape_cast %reduce_min3A_1054 : vector<256xi32> to vector<256x1xi32>
    %swap3A_1056 = arith.constant 0 : index
    %swap3A_1057 = arith.constant 54 : index
    %swap3A_1058 = vector.load %arg4[%swap3A_1056, %swap3A_1057] : memref<256x64xi32, #tpu.memory_space<vmem>>, vector<256x1xi32>
    tpu.vector_store %arg4[%swap3A_1056, %swap3A_1057], %broadcast_in_dim3A_1055 {strides = array<i32>} : memref<256x64xi32, #tpu.memory_space<vmem>>, vector<256x1xi32>,
    %eq3A_1059 = vector.broadcast %broadcast_in_dim3A_1055 : vector<256x1xi32> to vector<256x256xi32>
    %eq3A_1060 = arith.cmpi eq, %iota3A, %eq3A_1059 : vector<256x256xi32>
    %jit3A_1061 = arith.constant 0xFF800000 : f32
    %broadcast_in_dim3A_1062 = vector.broadcast %jit3A_1061 : f32 to vector<256x256xf32>
    %select_n3A_1063 = arith.select %eq3A_1060, %broadcast_in_dim3A_1062, %select_n3A_1044 : vector<256x256xi1>, vector<256x256xf32>
    %reduce_max3A_1064 = arith.constant dense<0xFF800000> : vector<256xf32>
    %reduce_max3A_1065 = vector.multi_reduction <maximumf>, %select_n3A_1063, %reduce_max3A_1064 [1] : vector<256x256xf32> to vector<256xf32>
    %broadcast_in_dim3A_1066 = vector.shape_cast %reduce_max3A_1065 : vector<256xf32> to vector<256x1xf32>
    %eq3A_1067 = vector.broadcast %broadcast_in_dim3A_1066 : vector<256x1xf32> to vector<256x256xf32>
    %eq3A_1068 = arith.cmpf oeq, %select_n3A_1063, %eq3A_1067 : vector<256x256xf32>
    %jit3A_1069 = arith.constant 256 : i32
    %broadcast_in_dim3A_1070 = vector.broadcast %jit3A_1069 : i32 to vector<256x256xi32>
    %select_n3A_1071 = arith.select %eq3A_1068, %iota3A, %broadcast_in_dim3A_1070 : vector<256x256xi1>, vector<256x256xi32>
    %reduce_min3A_1072 = arith.constant dense<2147483647> : vector<256xi32>
    %reduce_min3A_1073 = vector.multi_reduction <minsi>, %select_n3A_1071, %reduce_min3A_1072 [1] : vector<256x256xi32> to vector<256xi32>
    %broadcast_in_dim3A_1074 = vector.shape_cast %reduce_min3A_1073 : vector<256xi32> to vector<256x1xi32>
    %swap3A_1075 = arith.constant 0 : index
    %swap3A_1076 = arith.constant 55 : index
    %swap3A_1077 = vector.load %arg4[%swap3A_1075, %swap3A_1076] : memref<256x64xi32, #tpu.memory_space<vmem>>, vector<256x1xi32>
    tpu.vector_store %arg4[%swap3A_1075, %swap3A_1076], %broadcast_in_dim3A_1074 {strides = array<i32>} : memref<256x64xi32, #tpu.memory_space<vmem>>, vector<256x1xi32>,
    %eq3A_1078 = vector.broadcast %broadcast_in_dim3A_1074 : vector<256x1xi32> to vector<256x256xi32>
    %eq3A_1079 = arith.cmpi eq, %iota3A, %eq3A_1078 : vector<256x256xi32>
    %jit3A_1080 = arith.constant 0xFF800000 : f32
    %broadcast_in_dim3A_1081 = vector.broadcast %jit3A_1080 : f32 to vector<256x256xf32>
    %select_n3A_1082 = arith.select %eq3A_1079, %broadcast_in_dim3A_1081, %select_n3A_1063 : vector<256x256xi1>, vector<256x256xf32>
    %reduce_max3A_1083 = arith.constant dense<0xFF800000> : vector<256xf32>
    %reduce_max3A_1084 = vector.multi_reduction <maximumf>, %select_n3A_1082, %reduce_max3A_1083 [1] : vector<256x256xf32> to vector<256xf32>
    %broadcast_in_dim3A_1085 = vector.shape_cast %reduce_max3A_1084 : vector<256xf32> to vector<256x1xf32>
    %eq3A_1086 = vector.broadcast %broadcast_in_dim3A_1085 : vector<256x1xf32> to vector<256x256xf32>
    %eq3A_1087 = arith.cmpf oeq, %select_n3A_1082, %eq3A_1086 : vector<256x256xf32>
    %jit3A_1088 = arith.constant 256 : i32
    %broadcast_in_dim3A_1089 = vector.broadcast %jit3A_1088 : i32 to vector<256x256xi32>
    %select_n3A_1090 = arith.select %eq3A_1087, %iota3A, %broadcast_in_dim3A_1089 : vector<256x256xi1>, vector<256x256xi32>
    %reduce_min3A_1091 = arith.constant dense<2147483647> : vector<256xi32>
    %reduce_min3A_1092 = vector.multi_reduction <minsi>, %select_n3A_1090, %reduce_min3A_1091 [1] : vector<256x256xi32> to vector<256xi32>
    %broadcast_in_dim3A_1093 = vector.shape_cast %reduce_min3A_1092 : vector<256xi32> to vector<256x1xi32>
    %swap3A_1094 = arith.constant 0 : index
    %swap3A_1095 = arith.constant 56 : index
    %swap3A_1096 = vector.load %arg4[%swap3A_1094, %swap3A_1095] : memref<256x64xi32, #tpu.memory_space<vmem>>, vector<256x1xi32>
    tpu.vector_store %arg4[%swap3A_1094, %swap3A_1095], %broadcast_in_dim3A_1093 {strides = array<i32>} : memref<256x64xi32, #tpu.memory_space<vmem>>, vector<256x1xi32>,
    %eq3A_1097 = vector.broadcast %broadcast_in_dim3A_1093 : vector<256x1xi32> to vector<256x256xi32>
    %eq3A_1098 = arith.cmpi eq, %iota3A, %eq3A_1097 : vector<256x256xi32>
    %jit3A_1099 = arith.constant 0xFF800000 : f32
    %broadcast_in_dim3A_1100 = vector.broadcast %jit3A_1099 : f32 to vector<256x256xf32>
    %select_n3A_1101 = arith.select %eq3A_1098, %broadcast_in_dim3A_1100, %select_n3A_1082 : vector<256x256xi1>, vector<256x256xf32>
    %reduce_max3A_1102 = arith.constant dense<0xFF800000> : vector<256xf32>
    %reduce_max3A_1103 = vector.multi_reduction <maximumf>, %select_n3A_1101, %reduce_max3A_1102 [1] : vector<256x256xf32> to vector<256xf32>
    %broadcast_in_dim3A_1104 = vector.shape_cast %reduce_max3A_1103 : vector<256xf32> to vector<256x1xf32>
    %eq3A_1105 = vector.broadcast %broadcast_in_dim3A_1104 : vector<256x1xf32> to vector<256x256xf32>
    %eq3A_1106 = arith.cmpf oeq, %select_n3A_1101, %eq3A_1105 : vector<256x256xf32>
    %jit3A_1107 = arith.constant 256 : i32
    %broadcast_in_dim3A_1108 = vector.broadcast %jit3A_1107 : i32 to vector<256x256xi32>
    %select_n3A_1109 = arith.select %eq3A_1106, %iota3A, %broadcast_in_dim3A_1108 : vector<256x256xi1>, vector<256x256xi32>
    %reduce_min3A_1110 = arith.constant dense<2147483647> : vector<256xi32>
    %reduce_min3A_1111 = vector.multi_reduction <minsi>, %select_n3A_1109, %reduce_min3A_1110 [1] : vector<256x256xi32> to vector<256xi32>
    %broadcast_in_dim3A_1112 = vector.shape_cast %reduce_min3A_1111 : vector<256xi32> to vector<256x1xi32>
    %swap3A_1113 = arith.constant 0 : index
    %swap3A_1114 = arith.constant 57 : index
    %swap3A_1115 = vector.load %arg4[%swap3A_1113, %swap3A_1114] : memref<256x64xi32, #tpu.memory_space<vmem>>, vector<256x1xi32>
    tpu.vector_store %arg4[%swap3A_1113, %swap3A_1114], %broadcast_in_dim3A_1112 {strides = array<i32>} : memref<256x64xi32, #tpu.memory_space<vmem>>, vector<256x1xi32>,
    %eq3A_1116 = vector.broadcast %broadcast_in_dim3A_1112 : vector<256x1xi32> to vector<256x256xi32>
    %eq3A_1117 = arith.cmpi eq, %iota3A, %eq3A_1116 : vector<256x256xi32>
    %jit3A_1118 = arith.constant 0xFF800000 : f32
    %broadcast_in_dim3A_1119 = vector.broadcast %jit3A_1118 : f32 to vector<256x256xf32>
    %select_n3A_1120 = arith.select %eq3A_1117, %broadcast_in_dim3A_1119, %select_n3A_1101 : vector<256x256xi1>, vector<256x256xf32>
    %reduce_max3A_1121 = arith.constant dense<0xFF800000> : vector<256xf32>
    %reduce_max3A_1122 = vector.multi_reduction <maximumf>, %select_n3A_1120, %reduce_max3A_1121 [1] : vector<256x256xf32> to vector<256xf32>
    %broadcast_in_dim3A_1123 = vector.shape_cast %reduce_max3A_1122 : vector<256xf32> to vector<256x1xf32>
    %eq3A_1124 = vector.broadcast %broadcast_in_dim3A_1123 : vector<256x1xf32> to vector<256x256xf32>
    %eq3A_1125 = arith.cmpf oeq, %select_n3A_1120, %eq3A_1124 : vector<256x256xf32>
    %jit3A_1126 = arith.constant 256 : i32
    %broadcast_in_dim3A_1127 = vector.broadcast %jit3A_1126 : i32 to vector<256x256xi32>
    %select_n3A_1128 = arith.select %eq3A_1125, %iota3A, %broadcast_in_dim3A_1127 : vector<256x256xi1>, vector<256x256xi32>
    %reduce_min3A_1129 = arith.constant dense<2147483647> : vector<256xi32>
    %reduce_min3A_1130 = vector.multi_reduction <minsi>, %select_n3A_1128, %reduce_min3A_1129 [1] : vector<256x256xi32> to vector<256xi32>
    %broadcast_in_dim3A_1131 = vector.shape_cast %reduce_min3A_1130 : vector<256xi32> to vector<256x1xi32>
    %swap3A_1132 = arith.constant 0 : index
    %swap3A_1133 = arith.constant 58 : index
    %swap3A_1134 = vector.load %arg4[%swap3A_1132, %swap3A_1133] : memref<256x64xi32, #tpu.memory_space<vmem>>, vector<256x1xi32>
    tpu.vector_store %arg4[%swap3A_1132, %swap3A_1133], %broadcast_in_dim3A_1131 {strides = array<i32>} : memref<256x64xi32, #tpu.memory_space<vmem>>, vector<256x1xi32>,
    %eq3A_1135 = vector.broadcast %broadcast_in_dim3A_1131 : vector<256x1xi32> to vector<256x256xi32>
    %eq3A_1136 = arith.cmpi eq, %iota3A, %eq3A_1135 : vector<256x256xi32>
    %jit3A_1137 = arith.constant 0xFF800000 : f32
    %broadcast_in_dim3A_1138 = vector.broadcast %jit3A_1137 : f32 to vector<256x256xf32>
    %select_n3A_1139 = arith.select %eq3A_1136, %broadcast_in_dim3A_1138, %select_n3A_1120 : vector<256x256xi1>, vector<256x256xf32>
    %reduce_max3A_1140 = arith.constant dense<0xFF800000> : vector<256xf32>
    %reduce_max3A_1141 = vector.multi_reduction <maximumf>, %select_n3A_1139, %reduce_max3A_1140 [1] : vector<256x256xf32> to vector<256xf32>
    %broadcast_in_dim3A_1142 = vector.shape_cast %reduce_max3A_1141 : vector<256xf32> to vector<256x1xf32>
    %eq3A_1143 = vector.broadcast %broadcast_in_dim3A_1142 : vector<256x1xf32> to vector<256x256xf32>
    %eq3A_1144 = arith.cmpf oeq, %select_n3A_1139, %eq3A_1143 : vector<256x256xf32>
    %jit3A_1145 = arith.constant 256 : i32
    %broadcast_in_dim3A_1146 = vector.broadcast %jit3A_1145 : i32 to vector<256x256xi32>
    %select_n3A_1147 = arith.select %eq3A_1144, %iota3A, %broadcast_in_dim3A_1146 : vector<256x256xi1>, vector<256x256xi32>
    %reduce_min3A_1148 = arith.constant dense<2147483647> : vector<256xi32>
    %reduce_min3A_1149 = vector.multi_reduction <minsi>, %select_n3A_1147, %reduce_min3A_1148 [1] : vector<256x256xi32> to vector<256xi32>
    %broadcast_in_dim3A_1150 = vector.shape_cast %reduce_min3A_1149 : vector<256xi32> to vector<256x1xi32>
    %swap3A_1151 = arith.constant 0 : index
    %swap3A_1152 = arith.constant 59 : index
    %swap3A_1153 = vector.load %arg4[%swap3A_1151, %swap3A_1152] : memref<256x64xi32, #tpu.memory_space<vmem>>, vector<256x1xi32>
    tpu.vector_store %arg4[%swap3A_1151, %swap3A_1152], %broadcast_in_dim3A_1150 {strides = array<i32>} : memref<256x64xi32, #tpu.memory_space<vmem>>, vector<256x1xi32>,
    %eq3A_1154 = vector.broadcast %broadcast_in_dim3A_1150 : vector<256x1xi32> to vector<256x256xi32>
    %eq3A_1155 = arith.cmpi eq, %iota3A, %eq3A_1154 : vector<256x256xi32>
    %jit3A_1156 = arith.constant 0xFF800000 : f32
    %broadcast_in_dim3A_1157 = vector.broadcast %jit3A_1156 : f32 to vector<256x256xf32>
    %select_n3A_1158 = arith.select %eq3A_1155, %broadcast_in_dim3A_1157, %select_n3A_1139 : vector<256x256xi1>, vector<256x256xf32>
    %reduce_max3A_1159 = arith.constant dense<0xFF800000> : vector<256xf32>
    %reduce_max3A_1160 = vector.multi_reduction <maximumf>, %select_n3A_1158, %reduce_max3A_1159 [1] : vector<256x256xf32> to vector<256xf32>
    %broadcast_in_dim3A_1161 = vector.shape_cast %reduce_max3A_1160 : vector<256xf32> to vector<256x1xf32>
    %eq3A_1162 = vector.broadcast %broadcast_in_dim3A_1161 : vector<256x1xf32> to vector<256x256xf32>
    %eq3A_1163 = arith.cmpf oeq, %select_n3A_1158, %eq3A_1162 : vector<256x256xf32>
    %jit3A_1164 = arith.constant 256 : i32
    %broadcast_in_dim3A_1165 = vector.broadcast %jit3A_1164 : i32 to vector<256x256xi32>
    %select_n3A_1166 = arith.select %eq3A_1163, %iota3A, %broadcast_in_dim3A_1165 : vector<256x256xi1>, vector<256x256xi32>
    %reduce_min3A_1167 = arith.constant dense<2147483647> : vector<256xi32>
    %reduce_min3A_1168 = vector.multi_reduction <minsi>, %select_n3A_1166, %reduce_min3A_1167 [1] : vector<256x256xi32> to vector<256xi32>
    %broadcast_in_dim3A_1169 = vector.shape_cast %reduce_min3A_1168 : vector<256xi32> to vector<256x1xi32>
    %swap3A_1170 = arith.constant 0 : index
    %swap3A_1171 = arith.constant 60 : index
    %swap3A_1172 = vector.load %arg4[%swap3A_1170, %swap3A_1171] : memref<256x64xi32, #tpu.memory_space<vmem>>, vector<256x1xi32>
    tpu.vector_store %arg4[%swap3A_1170, %swap3A_1171], %broadcast_in_dim3A_1169 {strides = array<i32>} : memref<256x64xi32, #tpu.memory_space<vmem>>, vector<256x1xi32>,
    %eq3A_1173 = vector.broadcast %broadcast_in_dim3A_1169 : vector<256x1xi32> to vector<256x256xi32>
    %eq3A_1174 = arith.cmpi eq, %iota3A, %eq3A_1173 : vector<256x256xi32>
    %jit3A_1175 = arith.constant 0xFF800000 : f32
    %broadcast_in_dim3A_1176 = vector.broadcast %jit3A_1175 : f32 to vector<256x256xf32>
    %select_n3A_1177 = arith.select %eq3A_1174, %broadcast_in_dim3A_1176, %select_n3A_1158 : vector<256x256xi1>, vector<256x256xf32>
    %reduce_max3A_1178 = arith.constant dense<0xFF800000> : vector<256xf32>
    %reduce_max3A_1179 = vector.multi_reduction <maximumf>, %select_n3A_1177, %reduce_max3A_1178 [1] : vector<256x256xf32> to vector<256xf32>
    %broadcast_in_dim3A_1180 = vector.shape_cast %reduce_max3A_1179 : vector<256xf32> to vector<256x1xf32>
    %eq3A_1181 = vector.broadcast %broadcast_in_dim3A_1180 : vector<256x1xf32> to vector<256x256xf32>
    %eq3A_1182 = arith.cmpf oeq, %select_n3A_1177, %eq3A_1181 : vector<256x256xf32>
    %jit3A_1183 = arith.constant 256 : i32
    %broadcast_in_dim3A_1184 = vector.broadcast %jit3A_1183 : i32 to vector<256x256xi32>
    %select_n3A_1185 = arith.select %eq3A_1182, %iota3A, %broadcast_in_dim3A_1184 : vector<256x256xi1>, vector<256x256xi32>
    %reduce_min3A_1186 = arith.constant dense<2147483647> : vector<256xi32>
    %reduce_min3A_1187 = vector.multi_reduction <minsi>, %select_n3A_1185, %reduce_min3A_1186 [1] : vector<256x256xi32> to vector<256xi32>
    %broadcast_in_dim3A_1188 = vector.shape_cast %reduce_min3A_1187 : vector<256xi32> to vector<256x1xi32>
    %swap3A_1189 = arith.constant 0 : index
    %swap3A_1190 = arith.constant 61 : index
    %swap3A_1191 = vector.load %arg4[%swap3A_1189, %swap3A_1190] : memref<256x64xi32, #tpu.memory_space<vmem>>, vector<256x1xi32>
    tpu.vector_store %arg4[%swap3A_1189, %swap3A_1190], %broadcast_in_dim3A_1188 {strides = array<i32>} : memref<256x64xi32, #tpu.memory_space<vmem>>, vector<256x1xi32>,
    %eq3A_1192 = vector.broadcast %broadcast_in_dim3A_1188 : vector<256x1xi32> to vector<256x256xi32>
    %eq3A_1193 = arith.cmpi eq, %iota3A, %eq3A_1192 : vector<256x256xi32>
    %jit3A_1194 = arith.constant 0xFF800000 : f32
    %broadcast_in_dim3A_1195 = vector.broadcast %jit3A_1194 : f32 to vector<256x256xf32>
    %select_n3A_1196 = arith.select %eq3A_1193, %broadcast_in_dim3A_1195, %select_n3A_1177 : vector<256x256xi1>, vector<256x256xf32>
    %reduce_max3A_1197 = arith.constant dense<0xFF800000> : vector<256xf32>
    %reduce_max3A_1198 = vector.multi_reduction <maximumf>, %select_n3A_1196, %reduce_max3A_1197 [1] : vector<256x256xf32> to vector<256xf32>
    %broadcast_in_dim3A_1199 = vector.shape_cast %reduce_max3A_1198 : vector<256xf32> to vector<256x1xf32>
    %eq3A_1200 = vector.broadcast %broadcast_in_dim3A_1199 : vector<256x1xf32> to vector<256x256xf32>
    %eq3A_1201 = arith.cmpf oeq, %select_n3A_1196, %eq3A_1200 : vector<256x256xf32>
    %jit3A_1202 = arith.constant 256 : i32
    %broadcast_in_dim3A_1203 = vector.broadcast %jit3A_1202 : i32 to vector<256x256xi32>
    %select_n3A_1204 = arith.select %eq3A_1201, %iota3A, %broadcast_in_dim3A_1203 : vector<256x256xi1>, vector<256x256xi32>
    %reduce_min3A_1205 = arith.constant dense<2147483647> : vector<256xi32>
    %reduce_min3A_1206 = vector.multi_reduction <minsi>, %select_n3A_1204, %reduce_min3A_1205 [1] : vector<256x256xi32> to vector<256xi32>
    %broadcast_in_dim3A_1207 = vector.shape_cast %reduce_min3A_1206 : vector<256xi32> to vector<256x1xi32>
    %swap3A_1208 = arith.constant 0 : index
    %swap3A_1209 = arith.constant 62 : index
    %swap3A_1210 = vector.load %arg4[%swap3A_1208, %swap3A_1209] : memref<256x64xi32, #tpu.memory_space<vmem>>, vector<256x1xi32>
    tpu.vector_store %arg4[%swap3A_1208, %swap3A_1209], %broadcast_in_dim3A_1207 {strides = array<i32>} : memref<256x64xi32, #tpu.memory_space<vmem>>, vector<256x1xi32>,
    %eq3A_1211 = vector.broadcast %broadcast_in_dim3A_1207 : vector<256x1xi32> to vector<256x256xi32>
    %eq3A_1212 = arith.cmpi eq, %iota3A, %eq3A_1211 : vector<256x256xi32>
    %jit3A_1213 = arith.constant 0xFF800000 : f32
    %broadcast_in_dim3A_1214 = vector.broadcast %jit3A_1213 : f32 to vector<256x256xf32>
    %select_n3A_1215 = arith.select %eq3A_1212, %broadcast_in_dim3A_1214, %select_n3A_1196 : vector<256x256xi1>, vector<256x256xf32>
    %reduce_max3A_1216 = arith.constant dense<0xFF800000> : vector<256xf32>
    %reduce_max3A_1217 = vector.multi_reduction <maximumf>, %select_n3A_1215, %reduce_max3A_1216 [1] : vector<256x256xf32> to vector<256xf32>
    %broadcast_in_dim3A_1218 = vector.shape_cast %reduce_max3A_1217 : vector<256xf32> to vector<256x1xf32>
    %eq3A_1219 = vector.broadcast %broadcast_in_dim3A_1218 : vector<256x1xf32> to vector<256x256xf32>
    %eq3A_1220 = arith.cmpf oeq, %select_n3A_1215, %eq3A_1219 : vector<256x256xf32>
    %jit3A_1221 = arith.constant 256 : i32
    %broadcast_in_dim3A_1222 = vector.broadcast %jit3A_1221 : i32 to vector<256x256xi32>
    %select_n3A_1223 = arith.select %eq3A_1220, %iota3A, %broadcast_in_dim3A_1222 : vector<256x256xi1>, vector<256x256xi32>
    %reduce_min3A_1224 = arith.constant dense<2147483647> : vector<256xi32>
    %reduce_min3A_1225 = vector.multi_reduction <minsi>, %select_n3A_1223, %reduce_min3A_1224 [1] : vector<256x256xi32> to vector<256xi32>
    %broadcast_in_dim3A_1226 = vector.shape_cast %reduce_min3A_1225 : vector<256xi32> to vector<256x1xi32>
    %swap3A_1227 = arith.constant 0 : index
    %swap3A_1228 = arith.constant 63 : index
    %swap3A_1229 = vector.load %arg4[%swap3A_1227, %swap3A_1228] : memref<256x64xi32, #tpu.memory_space<vmem>>, vector<256x1xi32>
    tpu.vector_store %arg4[%swap3A_1227, %swap3A_1228], %broadcast_in_dim3A_1226 {strides = array<i32>} : memref<256x64xi32, #tpu.memory_space<vmem>>, vector<256x1xi32>,
    %get3A_1230 = arith.constant 0 : index
    %get3A_1231 = arith.constant 0 : index
    %get3A_1232 = vector.load %arg4[%get3A_1230, %get3A_1231] : memref<256x64xi32, #tpu.memory_space<vmem>>, vector<256x64xi32>
    %transpose3A = tpu.transpose %get3A_1232, [1, 0] : vector<256x64xi32> -> vector<64x256xi32>
    %swap3A_1233 = arith.constant 0 : index
    %swap3A_1234 = arith.constant 0 : index
    %swap3A_1235 = vector.load %arg5[%swap3A_1233, %swap3A_1234] : memref<64x256xi32, #tpu.memory_space<vmem>>, vector<64x256xi32>
    tpu.vector_store %arg5[%swap3A_1233, %swap3A_1234], %transpose3A {strides = array<i32>} : memref<64x256xi32, #tpu.memory_space<vmem>>, vector<64x256xi32>,
    return
  }
}

module attributes {stable_mosaic.version = 14 : i64} {
  func.func @_inject_body(%arg0: i32, %arg1: i32, %arg2: memref<1x256x8x256xf32, #tpu.memory_space<vmem>>, %arg3: memref<8x256x64x256xf32, #tpu.memory_space<any>>, %arg4: memref<1x256x8x256xf32, #tpu.memory_space<vmem>>) attributes {dimension_semantics = [#tpu.dimension_semantics<arbitrary>, #tpu.dimension_semantics<arbitrary>], iteration_bounds = array<i64: 2, 8>, scalar_prefetch = 0 : i64, scratch_operands = 0 : i64, tpu.core_type = #tpu.core_type<tc>, window_params = [{transform_indices = @transform_0, window_bounds = array<i64: 1, 256, 8, 256>}, {}, {transform_indices = @transform_2, window_bounds = array<i64: 1, 256, 8, 256>}]} {
    %get3A = arith.constant 0 : index
    %get3A_0 = arith.constant 0 : index
    %get3A_1 = arith.constant 0 : index
    %get3A_2 = arith.constant 0 : index
    %get3A_3 = vector.load %arg2[%get3A, %get3A_0, %get3A_1, %get3A_2] : memref<1x256x8x256xf32, #tpu.memory_space<vmem>>, vector<1x256x8x256xf32>
    %swap3A = arith.constant 0 : index
    %swap3A_4 = arith.constant 0 : index
    %swap3A_5 = arith.constant 0 : index
    %swap3A_6 = arith.constant 0 : index
    %swap3A_7 = vector.load %arg4[%swap3A, %swap3A_4, %swap3A_5, %swap3A_6] : memref<1x256x8x256xf32, #tpu.memory_space<vmem>>, vector<1x256x8x256xf32>
    tpu.vector_store %arg4[%swap3A, %swap3A_4, %swap3A_5, %swap3A_6], %get3A_3 {strides = array<i32>} : memref<1x256x8x256xf32, #tpu.memory_space<vmem>>, vector<1x256x8x256xf32>,
    return
  }
  func.func @transform_0(%arg0: i32, %arg1: i32) -> (i32, i32, i32, i32) {
    %c0_i32 = arith.constant 0 : i32
    %c0_i32_0 = arith.constant 0 : i32
    %c0_i32_1 = arith.constant 0 : i32
    return %arg0, %c0_i32, %arg1, %c0_i32_0 : i32, i32, i32, i32
  }
  func.func @transform_2(%arg0: i32, %arg1: i32) -> (i32, i32, i32, i32) {
    %c0_i32 = arith.constant 0 : i32
    %c0_i32_0 = arith.constant 0 : i32
    %c0_i32_1 = arith.constant 0 : i32
    return %arg0, %c0_i32, %arg1, %c0_i32_0 : i32, i32, i32, i32
  }
}

module attributes {stable_mosaic.version = 14 : i64} {
  func.func @_tc_gather_body(%arg0: i32, %arg1: i32, %arg2: memref<1x256x256xf32, #tpu.memory_space<vmem>>, %arg3: memref<8x256xi32, #tpu.memory_space<vmem>>, %arg4: memref<1x256x8x256xf32, #tpu.memory_space<vmem>>, %arg5: memref<256x256xbf16, #tpu.memory_space<vmem>>, %arg6: memref<256x256xbf16, #tpu.memory_space<vmem>>) attributes {dimension_semantics = [#tpu.dimension_semantics<arbitrary>, #tpu.dimension_semantics<arbitrary>], iteration_bounds = array<i64: 6, 8>, scalar_prefetch = 0 : i64, scratch_operands = 2 : i64, tpu.core_type = #tpu.core_type<tc>, window_params = [{transform_indices = @transform_0, window_bounds = array<i64: 1, 256, 256>}, {transform_indices = @transform_1, window_bounds = array<i64: 8, 256>}, {transform_indices = @transform_2, window_bounds = array<i64: 1, 256, 8, 256>}]} {
    %eq3A = arith.constant 0 : i32
    %eq3A_0 = arith.cmpi eq, %arg1, %eq3A : i32
    %convert_element_type3A = arith.extui %eq3A_0 : i1 to i32
    %cond3A = arith.constant 0 : i32
    %cond3A_1 = arith.cmpi ne, %convert_element_type3A, %cond3A : i32
    scf.if %cond3A_1 {
      %get3A_164 = arith.constant 0 : index
      %get3A_165 = arith.constant 0 : index
      %get3A_166 = arith.constant 0 : index
      %get3A_167 = vector.load %arg2[%get3A_164, %get3A_165, %get3A_166] : memref<1x256x256xf32, #tpu.memory_space<vmem>>, vector<1x256x256xf32>
      %get3A_168 = vector.shape_cast %get3A_167 : vector<1x256x256xf32> to vector<256x256xf32>
      %convert_element_type3A_169 = arith.truncf %get3A_168 : vector<256x256xf32> to vector<256x256xbf16>
      %swap3A_170 = arith.constant 0 : index
      %swap3A_171 = arith.constant 0 : index
      %swap3A_172 = vector.load %arg5[%swap3A_170, %swap3A_171] : memref<256x256xbf16, #tpu.memory_space<vmem>>, vector<256x256xbf16>
      tpu.vector_store %arg5[%swap3A_170, %swap3A_171], %convert_element_type3A_169 {strides = array<i32>} : memref<256x256xbf16, #tpu.memory_space<vmem>>, vector<256x256xbf16>,
      %get3A_173 = arith.constant 0 : index
      %get3A_174 = arith.constant 0 : index
      %get3A_175 = vector.load %arg5[%get3A_173, %get3A_174] : memref<256x256xbf16, #tpu.memory_space<vmem>>, vector<256x256xbf16>
      %convert_element_type3A_176 = arith.extf %get3A_175 : vector<256x256xbf16> to vector<256x256xf32>
      %sub3A = arith.subf %get3A_168, %convert_element_type3A_176 : vector<256x256xf32>
      %convert_element_type3A_177 = arith.truncf %sub3A : vector<256x256xf32> to vector<256x256xbf16>
      %swap3A_178 = arith.constant 0 : index
      %swap3A_179 = arith.constant 0 : index
      %swap3A_180 = vector.load %arg6[%swap3A_178, %swap3A_179] : memref<256x256xbf16, #tpu.memory_space<vmem>>, vector<256x256xbf16>
      tpu.vector_store %arg6[%swap3A_178, %swap3A_179], %convert_element_type3A_177 {strides = array<i32>} : memref<256x256xbf16, #tpu.memory_space<vmem>>, vector<256x256xbf16>,
    } else {
    }
    %get3A = arith.constant 0 : index
    %get3A_2 = arith.constant 0 : index
    %get3A_3 = vector.load %arg5[%get3A, %get3A_2] : memref<256x256xbf16, #tpu.memory_space<vmem>>, vector<256x256xbf16>
    %get3A_4 = arith.constant 0 : index
    %get3A_5 = arith.constant 0 : index
    %get3A_6 = vector.load %arg6[%get3A_4, %get3A_5] : memref<256x256xbf16, #tpu.memory_space<vmem>>, vector<256x256xbf16>
    %iota3A = tpu.iota {dimensions = array<i32: 0>} : vector<256x256xi32>
    %get3A_7 = arith.constant 0 : index
    %get3A_8 = arith.constant 0 : index
    %get3A_9 = vector.load %arg3[%get3A_7, %get3A_8] : memref<8x256xi32, #tpu.memory_space<vmem>>, vector<1x256xi32>
    %eq3A_10 = vector.broadcast %get3A_9 : vector<1x256xi32> to vector<256x256xi32>
    %eq3A_11 = arith.cmpi eq, %iota3A, %eq3A_10 : vector<256x256xi32>
    %convert_element_type3A_12 = arith.extui %eq3A_11 : vector<256x256xi1> to vector<256x256xi32>
    %convert_element_type3A_13 = arith.sitofp %convert_element_type3A_12 : vector<256x256xi32> to vector<256x256xf32>
    %convert_element_type3A_14 = arith.truncf %convert_element_type3A_13 : vector<256x256xf32> to vector<256x256xbf16>
    %dot_general3A = arith.constant dense<0.000000e+00> : vector<256x256xf32>
    %dot_general3A_15 = tpu.matmul %get3A_3, %convert_element_type3A_14, %dot_general3A {dimension_numbers = #tpu.dot_dimension_numbers<[1], [0], [0], [1], [0, 0, 1, 1], [], []>, transpose_lhs_hint = false} : vector<256x256xbf16>, vector<256x256xbf16>, vector<256x256xf32> -> vector<256x256xf32>
    %dot_general3A_16 = arith.constant dense<0.000000e+00> : vector<256x256xf32>
    %dot_general3A_17 = tpu.matmul %get3A_6, %convert_element_type3A_14, %dot_general3A_16 {dimension_numbers = #tpu.dot_dimension_numbers<[1], [0], [0], [1], [0, 0, 1, 1], [], []>, transpose_lhs_hint = false} : vector<256x256xbf16>, vector<256x256xbf16>, vector<256x256xf32> -> vector<256x256xf32>
    %add3A = arith.addf %dot_general3A_15, %dot_general3A_17 : vector<256x256xf32>
    %swap3A = arith.constant 0 : index
    %swap3A_18 = arith.constant 0 : index
    %swap3A_19 = arith.constant 0 : index
    %swap3A_20 = arith.constant 0 : index
    %swap3A_21 = vector.load %arg4[%swap3A, %swap3A_18, %swap3A_19, %swap3A_20] : memref<1x256x8x256xf32, #tpu.memory_space<vmem>>, vector<1x256x1x256xf32>
    %swap3A_22 = vector.shape_cast %swap3A_21 : vector<1x256x1x256xf32> to vector<256x256xf32>
    %swap3A_23 = vector.shape_cast %add3A : vector<256x256xf32> to vector<1x256x1x256xf32>
    tpu.vector_store %arg4[%swap3A, %swap3A_18, %swap3A_19, %swap3A_20], %swap3A_23 {strides = array<i32>} : memref<1x256x8x256xf32, #tpu.memory_space<vmem>>, vector<1x256x1x256xf32>,
    %get3A_24 = arith.constant 1 : index
    %get3A_25 = arith.constant 0 : index
    %get3A_26 = vector.load %arg3[%get3A_24, %get3A_25] : memref<8x256xi32, #tpu.memory_space<vmem>>, vector<1x256xi32>
    %eq3A_27 = vector.broadcast %get3A_26 : vector<1x256xi32> to vector<256x256xi32>
    %eq3A_28 = arith.cmpi eq, %iota3A, %eq3A_27 : vector<256x256xi32>
    %convert_element_type3A_29 = arith.extui %eq3A_28 : vector<256x256xi1> to vector<256x256xi32>
    %convert_element_type3A_30 = arith.sitofp %convert_element_type3A_29 : vector<256x256xi32> to vector<256x256xf32>
    %convert_element_type3A_31 = arith.truncf %convert_element_type3A_30 : vector<256x256xf32> to vector<256x256xbf16>
    %dot_general3A_32 = arith.constant dense<0.000000e+00> : vector<256x256xf32>
    %dot_general3A_33 = tpu.matmul %get3A_3, %convert_element_type3A_31, %dot_general3A_32 {dimension_numbers = #tpu.dot_dimension_numbers<[1], [0], [0], [1], [0, 0, 1, 1], [], []>, transpose_lhs_hint = false} : vector<256x256xbf16>, vector<256x256xbf16>, vector<256x256xf32> -> vector<256x256xf32>
    %dot_general3A_34 = arith.constant dense<0.000000e+00> : vector<256x256xf32>
    %dot_general3A_35 = tpu.matmul %get3A_6, %convert_element_type3A_31, %dot_general3A_34 {dimension_numbers = #tpu.dot_dimension_numbers<[1], [0], [0], [1], [0, 0, 1, 1], [], []>, transpose_lhs_hint = false} : vector<256x256xbf16>, vector<256x256xbf16>, vector<256x256xf32> -> vector<256x256xf32>
    %add3A_36 = arith.addf %dot_general3A_33, %dot_general3A_35 : vector<256x256xf32>
    %swap3A_37 = arith.constant 0 : index
    %swap3A_38 = arith.constant 0 : index
    %swap3A_39 = arith.constant 1 : index
    %swap3A_40 = arith.constant 0 : index
    %swap3A_41 = vector.load %arg4[%swap3A_37, %swap3A_38, %swap3A_39, %swap3A_40] : memref<1x256x8x256xf32, #tpu.memory_space<vmem>>, vector<1x256x1x256xf32>
    %swap3A_42 = vector.shape_cast %swap3A_41 : vector<1x256x1x256xf32> to vector<256x256xf32>
    %swap3A_43 = vector.shape_cast %add3A_36 : vector<256x256xf32> to vector<1x256x1x256xf32>
    tpu.vector_store %arg4[%swap3A_37, %swap3A_38, %swap3A_39, %swap3A_40], %swap3A_43 {strides = array<i32>} : memref<1x256x8x256xf32, #tpu.memory_space<vmem>>, vector<1x256x1x256xf32>,
    %get3A_44 = arith.constant 2 : index
    %get3A_45 = arith.constant 0 : index
    %get3A_46 = vector.load %arg3[%get3A_44, %get3A_45] : memref<8x256xi32, #tpu.memory_space<vmem>>, vector<1x256xi32>
    %eq3A_47 = vector.broadcast %get3A_46 : vector<1x256xi32> to vector<256x256xi32>
    %eq3A_48 = arith.cmpi eq, %iota3A, %eq3A_47 : vector<256x256xi32>
    %convert_element_type3A_49 = arith.extui %eq3A_48 : vector<256x256xi1> to vector<256x256xi32>
    %convert_element_type3A_50 = arith.sitofp %convert_element_type3A_49 : vector<256x256xi32> to vector<256x256xf32>
    %convert_element_type3A_51 = arith.truncf %convert_element_type3A_50 : vector<256x256xf32> to vector<256x256xbf16>
    %dot_general3A_52 = arith.constant dense<0.000000e+00> : vector<256x256xf32>
    %dot_general3A_53 = tpu.matmul %get3A_3, %convert_element_type3A_51, %dot_general3A_52 {dimension_numbers = #tpu.dot_dimension_numbers<[1], [0], [0], [1], [0, 0, 1, 1], [], []>, transpose_lhs_hint = false} : vector<256x256xbf16>, vector<256x256xbf16>, vector<256x256xf32> -> vector<256x256xf32>
    %dot_general3A_54 = arith.constant dense<0.000000e+00> : vector<256x256xf32>
    %dot_general3A_55 = tpu.matmul %get3A_6, %convert_element_type3A_51, %dot_general3A_54 {dimension_numbers = #tpu.dot_dimension_numbers<[1], [0], [0], [1], [0, 0, 1, 1], [], []>, transpose_lhs_hint = false} : vector<256x256xbf16>, vector<256x256xbf16>, vector<256x256xf32> -> vector<256x256xf32>
    %add3A_56 = arith.addf %dot_general3A_53, %dot_general3A_55 : vector<256x256xf32>
    %swap3A_57 = arith.constant 0 : index
    %swap3A_58 = arith.constant 0 : index
    %swap3A_59 = arith.constant 2 : index
    %swap3A_60 = arith.constant 0 : index
    %swap3A_61 = vector.load %arg4[%swap3A_57, %swap3A_58, %swap3A_59, %swap3A_60] : memref<1x256x8x256xf32, #tpu.memory_space<vmem>>, vector<1x256x1x256xf32>
    %swap3A_62 = vector.shape_cast %swap3A_61 : vector<1x256x1x256xf32> to vector<256x256xf32>
    %swap3A_63 = vector.shape_cast %add3A_56 : vector<256x256xf32> to vector<1x256x1x256xf32>
    tpu.vector_store %arg4[%swap3A_57, %swap3A_58, %swap3A_59, %swap3A_60], %swap3A_63 {strides = array<i32>} : memref<1x256x8x256xf32, #tpu.memory_space<vmem>>, vector<1x256x1x256xf32>,
    %get3A_64 = arith.constant 3 : index
    %get3A_65 = arith.constant 0 : index
    %get3A_66 = vector.load %arg3[%get3A_64, %get3A_65] : memref<8x256xi32, #tpu.memory_space<vmem>>, vector<1x256xi32>
    %eq3A_67 = vector.broadcast %get3A_66 : vector<1x256xi32> to vector<256x256xi32>
    %eq3A_68 = arith.cmpi eq, %iota3A, %eq3A_67 : vector<256x256xi32>
    %convert_element_type3A_69 = arith.extui %eq3A_68 : vector<256x256xi1> to vector<256x256xi32>
    %convert_element_type3A_70 = arith.sitofp %convert_element_type3A_69 : vector<256x256xi32> to vector<256x256xf32>
    %convert_element_type3A_71 = arith.truncf %convert_element_type3A_70 : vector<256x256xf32> to vector<256x256xbf16>
    %dot_general3A_72 = arith.constant dense<0.000000e+00> : vector<256x256xf32>
    %dot_general3A_73 = tpu.matmul %get3A_3, %convert_element_type3A_71, %dot_general3A_72 {dimension_numbers = #tpu.dot_dimension_numbers<[1], [0], [0], [1], [0, 0, 1, 1], [], []>, transpose_lhs_hint = false} : vector<256x256xbf16>, vector<256x256xbf16>, vector<256x256xf32> -> vector<256x256xf32>
    %dot_general3A_74 = arith.constant dense<0.000000e+00> : vector<256x256xf32>
    %dot_general3A_75 = tpu.matmul %get3A_6, %convert_element_type3A_71, %dot_general3A_74 {dimension_numbers = #tpu.dot_dimension_numbers<[1], [0], [0], [1], [0, 0, 1, 1], [], []>, transpose_lhs_hint = false} : vector<256x256xbf16>, vector<256x256xbf16>, vector<256x256xf32> -> vector<256x256xf32>
    %add3A_76 = arith.addf %dot_general3A_73, %dot_general3A_75 : vector<256x256xf32>
    %swap3A_77 = arith.constant 0 : index
    %swap3A_78 = arith.constant 0 : index
    %swap3A_79 = arith.constant 3 : index
    %swap3A_80 = arith.constant 0 : index
    %swap3A_81 = vector.load %arg4[%swap3A_77, %swap3A_78, %swap3A_79, %swap3A_80] : memref<1x256x8x256xf32, #tpu.memory_space<vmem>>, vector<1x256x1x256xf32>
    %swap3A_82 = vector.shape_cast %swap3A_81 : vector<1x256x1x256xf32> to vector<256x256xf32>
    %swap3A_83 = vector.shape_cast %add3A_76 : vector<256x256xf32> to vector<1x256x1x256xf32>
    tpu.vector_store %arg4[%swap3A_77, %swap3A_78, %swap3A_79, %swap3A_80], %swap3A_83 {strides = array<i32>} : memref<1x256x8x256xf32, #tpu.memory_space<vmem>>, vector<1x256x1x256xf32>,
    %get3A_84 = arith.constant 4 : index
    %get3A_85 = arith.constant 0 : index
    %get3A_86 = vector.load %arg3[%get3A_84, %get3A_85] : memref<8x256xi32, #tpu.memory_space<vmem>>, vector<1x256xi32>
    %eq3A_87 = vector.broadcast %get3A_86 : vector<1x256xi32> to vector<256x256xi32>
    %eq3A_88 = arith.cmpi eq, %iota3A, %eq3A_87 : vector<256x256xi32>
    %convert_element_type3A_89 = arith.extui %eq3A_88 : vector<256x256xi1> to vector<256x256xi32>
    %convert_element_type3A_90 = arith.sitofp %convert_element_type3A_89 : vector<256x256xi32> to vector<256x256xf32>
    %convert_element_type3A_91 = arith.truncf %convert_element_type3A_90 : vector<256x256xf32> to vector<256x256xbf16>
    %dot_general3A_92 = arith.constant dense<0.000000e+00> : vector<256x256xf32>
    %dot_general3A_93 = tpu.matmul %get3A_3, %convert_element_type3A_91, %dot_general3A_92 {dimension_numbers = #tpu.dot_dimension_numbers<[1], [0], [0], [1], [0, 0, 1, 1], [], []>, transpose_lhs_hint = false} : vector<256x256xbf16>, vector<256x256xbf16>, vector<256x256xf32> -> vector<256x256xf32>
    %dot_general3A_94 = arith.constant dense<0.000000e+00> : vector<256x256xf32>
    %dot_general3A_95 = tpu.matmul %get3A_6, %convert_element_type3A_91, %dot_general3A_94 {dimension_numbers = #tpu.dot_dimension_numbers<[1], [0], [0], [1], [0, 0, 1, 1], [], []>, transpose_lhs_hint = false} : vector<256x256xbf16>, vector<256x256xbf16>, vector<256x256xf32> -> vector<256x256xf32>
    %add3A_96 = arith.addf %dot_general3A_93, %dot_general3A_95 : vector<256x256xf32>
    %swap3A_97 = arith.constant 0 : index
    %swap3A_98 = arith.constant 0 : index
    %swap3A_99 = arith.constant 4 : index
    %swap3A_100 = arith.constant 0 : index
    %swap3A_101 = vector.load %arg4[%swap3A_97, %swap3A_98, %swap3A_99, %swap3A_100] : memref<1x256x8x256xf32, #tpu.memory_space<vmem>>, vector<1x256x1x256xf32>
    %swap3A_102 = vector.shape_cast %swap3A_101 : vector<1x256x1x256xf32> to vector<256x256xf32>
    %swap3A_103 = vector.shape_cast %add3A_96 : vector<256x256xf32> to vector<1x256x1x256xf32>
    tpu.vector_store %arg4[%swap3A_97, %swap3A_98, %swap3A_99, %swap3A_100], %swap3A_103 {strides = array<i32>} : memref<1x256x8x256xf32, #tpu.memory_space<vmem>>, vector<1x256x1x256xf32>,
    %get3A_104 = arith.constant 5 : index
    %get3A_105 = arith.constant 0 : index
    %get3A_106 = vector.load %arg3[%get3A_104, %get3A_105] : memref<8x256xi32, #tpu.memory_space<vmem>>, vector<1x256xi32>
    %eq3A_107 = vector.broadcast %get3A_106 : vector<1x256xi32> to vector<256x256xi32>
    %eq3A_108 = arith.cmpi eq, %iota3A, %eq3A_107 : vector<256x256xi32>
    %convert_element_type3A_109 = arith.extui %eq3A_108 : vector<256x256xi1> to vector<256x256xi32>
    %convert_element_type3A_110 = arith.sitofp %convert_element_type3A_109 : vector<256x256xi32> to vector<256x256xf32>
    %convert_element_type3A_111 = arith.truncf %convert_element_type3A_110 : vector<256x256xf32> to vector<256x256xbf16>
    %dot_general3A_112 = arith.constant dense<0.000000e+00> : vector<256x256xf32>
    %dot_general3A_113 = tpu.matmul %get3A_3, %convert_element_type3A_111, %dot_general3A_112 {dimension_numbers = #tpu.dot_dimension_numbers<[1], [0], [0], [1], [0, 0, 1, 1], [], []>, transpose_lhs_hint = false} : vector<256x256xbf16>, vector<256x256xbf16>, vector<256x256xf32> -> vector<256x256xf32>
    %dot_general3A_114 = arith.constant dense<0.000000e+00> : vector<256x256xf32>
    %dot_general3A_115 = tpu.matmul %get3A_6, %convert_element_type3A_111, %dot_general3A_114 {dimension_numbers = #tpu.dot_dimension_numbers<[1], [0], [0], [1], [0, 0, 1, 1], [], []>, transpose_lhs_hint = false} : vector<256x256xbf16>, vector<256x256xbf16>, vector<256x256xf32> -> vector<256x256xf32>
    %add3A_116 = arith.addf %dot_general3A_113, %dot_general3A_115 : vector<256x256xf32>
    %swap3A_117 = arith.constant 0 : index
    %swap3A_118 = arith.constant 0 : index
    %swap3A_119 = arith.constant 5 : index
    %swap3A_120 = arith.constant 0 : index
    %swap3A_121 = vector.load %arg4[%swap3A_117, %swap3A_118, %swap3A_119, %swap3A_120] : memref<1x256x8x256xf32, #tpu.memory_space<vmem>>, vector<1x256x1x256xf32>
    %swap3A_122 = vector.shape_cast %swap3A_121 : vector<1x256x1x256xf32> to vector<256x256xf32>
    %swap3A_123 = vector.shape_cast %add3A_116 : vector<256x256xf32> to vector<1x256x1x256xf32>
    tpu.vector_store %arg4[%swap3A_117, %swap3A_118, %swap3A_119, %swap3A_120], %swap3A_123 {strides = array<i32>} : memref<1x256x8x256xf32, #tpu.memory_space<vmem>>, vector<1x256x1x256xf32>,
    %get3A_124 = arith.constant 6 : index
    %get3A_125 = arith.constant 0 : index
    %get3A_126 = vector.load %arg3[%get3A_124, %get3A_125] : memref<8x256xi32, #tpu.memory_space<vmem>>, vector<1x256xi32>
    %eq3A_127 = vector.broadcast %get3A_126 : vector<1x256xi32> to vector<256x256xi32>
    %eq3A_128 = arith.cmpi eq, %iota3A, %eq3A_127 : vector<256x256xi32>
    %convert_element_type3A_129 = arith.extui %eq3A_128 : vector<256x256xi1> to vector<256x256xi32>
    %convert_element_type3A_130 = arith.sitofp %convert_element_type3A_129 : vector<256x256xi32> to vector<256x256xf32>
    %convert_element_type3A_131 = arith.truncf %convert_element_type3A_130 : vector<256x256xf32> to vector<256x256xbf16>
    %dot_general3A_132 = arith.constant dense<0.000000e+00> : vector<256x256xf32>
    %dot_general3A_133 = tpu.matmul %get3A_3, %convert_element_type3A_131, %dot_general3A_132 {dimension_numbers = #tpu.dot_dimension_numbers<[1], [0], [0], [1], [0, 0, 1, 1], [], []>, transpose_lhs_hint = false} : vector<256x256xbf16>, vector<256x256xbf16>, vector<256x256xf32> -> vector<256x256xf32>
    %dot_general3A_134 = arith.constant dense<0.000000e+00> : vector<256x256xf32>
    %dot_general3A_135 = tpu.matmul %get3A_6, %convert_element_type3A_131, %dot_general3A_134 {dimension_numbers = #tpu.dot_dimension_numbers<[1], [0], [0], [1], [0, 0, 1, 1], [], []>, transpose_lhs_hint = false} : vector<256x256xbf16>, vector<256x256xbf16>, vector<256x256xf32> -> vector<256x256xf32>
    %add3A_136 = arith.addf %dot_general3A_133, %dot_general3A_135 : vector<256x256xf32>
    %swap3A_137 = arith.constant 0 : index
    %swap3A_138 = arith.constant 0 : index
    %swap3A_139 = arith.constant 6 : index
    %swap3A_140 = arith.constant 0 : index
    %swap3A_141 = vector.load %arg4[%swap3A_137, %swap3A_138, %swap3A_139, %swap3A_140] : memref<1x256x8x256xf32, #tpu.memory_space<vmem>>, vector<1x256x1x256xf32>
    %swap3A_142 = vector.shape_cast %swap3A_141 : vector<1x256x1x256xf32> to vector<256x256xf32>
    %swap3A_143 = vector.shape_cast %add3A_136 : vector<256x256xf32> to vector<1x256x1x256xf32>
    tpu.vector_store %arg4[%swap3A_137, %swap3A_138, %swap3A_139, %swap3A_140], %swap3A_143 {strides = array<i32>} : memref<1x256x8x256xf32, #tpu.memory_space<vmem>>, vector<1x256x1x256xf32>,
    %get3A_144 = arith.constant 7 : index
    %get3A_145 = arith.constant 0 : index
    %get3A_146 = vector.load %arg3[%get3A_144, %get3A_145] : memref<8x256xi32, #tpu.memory_space<vmem>>, vector<1x256xi32>
    %eq3A_147 = vector.broadcast %get3A_146 : vector<1x256xi32> to vector<256x256xi32>
    %eq3A_148 = arith.cmpi eq, %iota3A, %eq3A_147 : vector<256x256xi32>
    %convert_element_type3A_149 = arith.extui %eq3A_148 : vector<256x256xi1> to vector<256x256xi32>
    %convert_element_type3A_150 = arith.sitofp %convert_element_type3A_149 : vector<256x256xi32> to vector<256x256xf32>
    %convert_element_type3A_151 = arith.truncf %convert_element_type3A_150 : vector<256x256xf32> to vector<256x256xbf16>
    %dot_general3A_152 = arith.constant dense<0.000000e+00> : vector<256x256xf32>
    %dot_general3A_153 = tpu.matmul %get3A_3, %convert_element_type3A_151, %dot_general3A_152 {dimension_numbers = #tpu.dot_dimension_numbers<[1], [0], [0], [1], [0, 0, 1, 1], [], []>, transpose_lhs_hint = false} : vector<256x256xbf16>, vector<256x256xbf16>, vector<256x256xf32> -> vector<256x256xf32>
    %dot_general3A_154 = arith.constant dense<0.000000e+00> : vector<256x256xf32>
    %dot_general3A_155 = tpu.matmul %get3A_6, %convert_element_type3A_151, %dot_general3A_154 {dimension_numbers = #tpu.dot_dimension_numbers<[1], [0], [0], [1], [0, 0, 1, 1], [], []>, transpose_lhs_hint = false} : vector<256x256xbf16>, vector<256x256xbf16>, vector<256x256xf32> -> vector<256x256xf32>
    %add3A_156 = arith.addf %dot_general3A_153, %dot_general3A_155 : vector<256x256xf32>
    %swap3A_157 = arith.constant 0 : index
    %swap3A_158 = arith.constant 0 : index
    %swap3A_159 = arith.constant 7 : index
    %swap3A_160 = arith.constant 0 : index
    %swap3A_161 = vector.load %arg4[%swap3A_157, %swap3A_158, %swap3A_159, %swap3A_160] : memref<1x256x8x256xf32, #tpu.memory_space<vmem>>, vector<1x256x1x256xf32>
    %swap3A_162 = vector.shape_cast %swap3A_161 : vector<1x256x1x256xf32> to vector<256x256xf32>
    %swap3A_163 = vector.shape_cast %add3A_156 : vector<256x256xf32> to vector<1x256x1x256xf32>
    tpu.vector_store %arg4[%swap3A_157, %swap3A_158, %swap3A_159, %swap3A_160], %swap3A_163 {strides = array<i32>} : memref<1x256x8x256xf32, #tpu.memory_space<vmem>>, vector<1x256x1x256xf32>,
    return
  }
  func.func @transform_0(%arg0: i32, %arg1: i32) -> (i32, i32, i32) {
    %add3A = arith.constant 2 : i32
    %add3A_0 = arith.addi %arg0, %add3A : i32
    %c0_i32 = arith.constant 0 : i32
    %c0_i32_1 = arith.constant 0 : i32
    %c0_i32_2 = arith.constant 0 : i32
    return %add3A_0, %c0_i32, %c0_i32_1 : i32, i32, i32
  }
  func.func @transform_1(%arg0: i32, %arg1: i32) -> (i32, i32) {
    %c0_i32 = arith.constant 0 : i32
    %c0_i32_0 = arith.constant 0 : i32
    return %arg1, %c0_i32 : i32, i32
  }
  func.func @transform_2(%arg0: i32, %arg1: i32) -> (i32, i32, i32, i32) {
    %add3A = arith.constant 2 : i32
    %add3A_0 = arith.addi %arg0, %add3A : i32
    %c0_i32 = arith.constant 0 : i32
    %c0_i32_1 = arith.constant 0 : i32
    %c0_i32_2 = arith.constant 0 : i32
    return %add3A_0, %c0_i32, %arg1, %c0_i32_1 : i32, i32, i32, i32
  }
}

</mosaic_0001>

<sc_bundles>
// kernel: kernel.6.cloned.1.call-start
scs
__scs_entry_jumppad:
0x0: {  	(pc) =	sbr.rel $0x88, $3  }
0x1: {  	(tag) =	ssettag $0x0;
	lr =	simm.s32 $0x1  }
0x2: {  	[smem:$0x3F9D] =	sst lr;
	_ =	strace $0xD0000000  }
0x3: {  	_ = 	snop  }
0x4: {  	_ = 	snop  }
0x5: {  	_ = 	snop  }
0x6: {  	_ = 	snop  }
0x7: {  	_ = 	snop  }
__scs_overlays_trampoline_lowered:
0x8: {  	[smem:$0x3FAC] =	sst s0  }
0x9: {  	[smem:$0x3FAD] =	sst s1  }
0xa: {  	[smem:$0x3FAE] =	sst s2  }
0xb: {  	[smem:$0x3FAF] =	sst s3  }
0xc: {  	[smem:$0x3FB0] =	sst s4  }
0xd: {  	[smem:$0x3FB1] =	sst s5  }
0xe: {  	[smem:$0x3FB2] =	sst s6  }
0xf: {  	[smem:$0x3FB3] =	sst s7  }
0x10: {  	[smem:$0x3FB4] =	sst s8  }
0x11: {  	[smem:$0x3FB5] =	sst s9;
	s0 =	simm.s32 @!p0 $0x0  }
0x12: {  	s1 =	sld [smem:$0x3F9B];
	s0 =	simm.s32 @p0 $0x1  }
0x13: {  	[smem:$0x3FB6] =	sst s0;
	s0 =	simm.s32 @!p1 $0x0  }
0x14: {  	s2 =	sld [smem:$0x3F9A];
	s0 =	simm.s32 @p1 $0x1  }
0x15: {  	[smem:$0x3FB7] =	sst s0;
	s0 =	simm.s32 @!p2 $0x0  }
0x16: {  	s3 =	sld [smem:$0x3FDB];
	s0 =	simm.s32 @p2 $0x1  }
0x17: {  	s4 =	simm.s32 $0x1BF5;
	[smem:$0x3FB9] =	sst s0  }
0x18: {  	s0 =	sld [smem:$0x3F9C];
	_ =	swait.ge [sflag:s4], $0x0  }
0x19: {  	s7 =	sld [smem:$0x3F9D]  }
0x1a: {  	s8 =	sadd.s32 $0xFFFFE003, lr  }
0x1b: {  	s9 =	sadd.s32 $0xFFFFFEF7, lr;
	s5 =	simm.s32 $0xFFFFFFFF;
	p2 =	slt.u32 s8, $0xFFFFF086  }
0x1c: {  	p1 =	slt.u32 s9, $0xF7A;
	s5 =	simm.s32 @!p2 $0x0  }
0x1d: {  	s5 =	simm.s32 @p1 $0x1;
	p0 =	seq.s32 s7, s2  }
0x1e: {  	s7 =	smul.u32 @!p0 $0xF7A, s2;
	p2 =	seq.s32 @!p0 s5, $0x0  }
0x1f: {  	s9 =	smul.u32 $0xF7A, s1;
	s8 =	simm.s32 @!p0 $0x1BF5;
	p2 =	por !p2, p0  }
0x20: {  	[sflag:s8] =	ssyncset.s32 @!p0 $0xFFFFF086;
	s6 =	sadd.s32 @!p0 s3, s7;
	s7 =	simm.s32 @!p0 $0x108  }
0x21: {  	s3 =	sadd.s32 s3, s9;
	s6 =	sadd.s32 @!p0 $0x88, s6;
	s7 =	simm.s32 @p2 $0x1082  }
0x22: {  	[simem:s7], [sflag:s8] =	dma.local @!p0 [hbm:s6], $0xF7A  }
0x23: {  	s9 =	sor.u32 $0xD0000000, s2;
	s6 =	simm.s32 $0x108;
	_ =	swait.ge @!p0 [sflag:s8], $0x0  }
0x24: {  	s3 =	sadd.s32 $0x88, s3;
	s6 =	simm.s32 @!p1 $0x1082;
	[sflag:s4] =	ssyncset.s32 $0xFFFFF086  }
0x25: {  	[simem:s6], [sflag:s4] =	dma.local [hbm:s3], $0xF7A  }
0x26: {  	[smem:$0x3F9D] =	sst s1;
	(tag) =	ssettag s2;
	_ =	strace s9  }
0x27: {  	s1 =	sld [smem:$0x3FAD]  }
0x28: {  	s2 =	sld [smem:$0x3FAE]  }
0x29: {  	s4 =	sld [smem:$0x3FB0]  }
0x2a: {  	p0 =	seq.s32 s5, $0x0;
	s5 =	sld [smem:$0x3FB1]  }
0x2b: {  	s6 =	sld [smem:$0x3FB2]  }
0x2c: {  	s7 =	sld [smem:$0x3FB3]  }
0x2d: {  	s3 =	simm.s32 $0x108;
	s8 =	sld [smem:$0x3FB4]  }
0x2e: {  	s3 =	simm.s32 @!p0 $0x1082;
	s9 =	sld [smem:$0x3FB5]  }
0x2f: {  	lr =	sadd.s32 s0, s3;
	s0 =	sld [smem:$0x3FAC]  }
0x30: {  	s3 =	sld [smem:$0x3FAF]  }
0x31: {  	[smem:$0x3FB8] =	sst s10  }
0x32: {  	s10 =	sld [smem:$0x3FB6];
	_ =	sdelay $0x3  }
0x33: {  	p0 =	seq.s32 s10, $0x1;
	s10 =	sld [smem:$0x3FB8];
	_ =	sdelay $0x3  }
0x34: {  	[smem:$0x3FB8] =	sst s10  }
0x35: {  	s10 =	sld [smem:$0x3FB7];
	_ =	sdelay $0x3  }
0x36: {  	p1 =	seq.s32 s10, $0x1;
	s10 =	sld [smem:$0x3FB8];
	_ =	sdelay $0x3  }
0x37: {  	[smem:$0x3FB8] =	sst s10  }
0x38: {  	s10 =	sld [smem:$0x3FB9]  }
0x39: {  	_ = 	snop;
	(pc) =	sbr.ind lr, $3  }
0x3a: {  	_ = 	snop  }
0x3b: {  	_ = 	snop  }
0x3c: {  	p2 =	seq.s32 s10, $0x1;
	s10 =	sld [smem:$0x3FB8]  }
0x3d: {  	_ =	shalt  }
0x3e: {  	_ =	shalt  }
0x3f: {  	_ =	shalt  }
0x40: {  	_ =	shalt  }
0x41: {  	_ =	shalt  }
0x42: {  	_ =	shalt  }
0x43: {  	_ =	shalt  }
0x44: {  	_ =	shalt  }
0x45: {  	_ =	shalt  }
0x46: {  	_ =	shalt  }
0x47: {  	_ =	shalt  }
0x48: {  	_ =	shalt  }
0x49: {  	_ =	shalt  }
0x4a: {  	_ =	shalt  }
0x4b: {  	_ =	shalt  }
0x4c: {  	_ =	shalt  }
0x4d: {  	_ =	shalt  }
0x4e: {  	_ =	shalt  }
0x4f: {  	_ =	shalt  }
0x50: {  	_ =	shalt  }
0x51: {  	_ =	shalt  }
0x52: {  	_ =	shalt  }
0x53: {  	_ =	shalt  }
0x54: {  	_ =	shalt  }
0x55: {  	_ =	shalt  }
0x56: {  	_ =	shalt  }
0x57: {  	_ =	shalt  }
0x58: {  	_ =	shalt  }
0x59: {  	_ =	shalt  }
0x5a: {  	_ =	shalt  }
0x5b: {  	_ =	shalt  }
0x5c: {  	_ =	shalt  }
0x5d: {  	_ =	shalt  }
0x5e: {  	_ =	shalt  }
0x5f: {  	_ =	shalt  }
0x60: {  	_ =	shalt  }
0x61: {  	_ =	shalt  }
0x62: {  	_ =	shalt  }
0x63: {  	_ =	shalt  }
0x64: {  	_ =	shalt  }
0x65: {  	_ =	shalt  }
0x66: {  	_ =	shalt  }
0x67: {  	_ =	shalt  }
0x68: {  	_ =	shalt  }
0x69: {  	_ =	shalt  }
0x6a: {  	_ =	shalt  }
0x6b: {  	_ =	shalt  }
0x6c: {  	_ =	shalt  }
0x6d: {  	_ =	shalt  }
0x6e: {  	_ =	shalt  }
0x6f: {  	_ =	shalt  }
0x70: {  	_ =	shalt  }
0x71: {  	_ =	shalt  }
0x72: {  	_ =	shalt  }
0x73: {  	_ =	shalt  }
0x74: {  	_ =	shalt  }
0x75: {  	_ =	shalt  }
0x76: {  	_ =	shalt  }
0x77: {  	_ =	shalt  }
0x78: {  	_ =	shalt  }
0x79: {  	_ =	shalt  }
0x7a: {  	_ =	shalt  }
0x7b: {  	_ =	shalt  }
0x7c: {  	_ =	shalt  }
0x7d: {  	_ =	shalt  }
0x7e: {  	_ =	shalt  }
0x7f: {  	_ =	shalt  }
0x80: {  	_ =	shalt  }
0x81: {  	_ =	shalt  }
0x82: {  	_ =	shalt  }
0x83: {  	_ =	shalt  }
0x84: {  	_ =	shalt  }
0x85: {  	_ =	shalt  }
0x86: {  	_ =	shalt  }
0x87: {  	_ =	shalt  }
.Lfunc_end0:
.L_simem_size_0:
called_computation_lowered:
.L_overlay_start_0:
0x88: {  	s2 =	sld [smem:$0x3FD9]  }
0x89: {  	s3 =	sld [smem:$0x3FFE];
	_ =	sdelay $0x1  }
0x8a: {  	s1 =	srdreg.scid  }
0x8b: {  	s0 =	sand.u32 $0x1, s1  }
0x8c: {  	s16 =	sshll.u32 s0, $0xA;
	s2 =	sadd.s32 s3, s2  }
0x8d: {  	s2 =	sadd.s32 s2, s16  }
0x8e: {  	[smem:$0x3FC4] =	sst s2  }
0x8f: {  	_ = 	snop  }
0x90: {  	(tm) =	ssettm $0x1  }
0x91: {  	s17 =	sld [smem:$0x3FFB];
	_ =	sdelay $0x3  }
0x92: {  	_ =	strace s17  }
0x93: {  	s2 =	sld [smem:$0x3FFC];
	_ =	sdelay $0x3  }
0x94: {  	_ =	strace s2  }
0x95: {  	s2 =	sld [smem:$0x3FFD];
	_ =	sdelay $0x3  }
0x96: {  	_ =	strace s2  }
0x97: {  	_ =	strace $0x8FFFFFFF  }
0x98: {  	s18 =	sld [smem:$0x3FDB];
	_ =	sdelay $0x1  }
0x99: {  	s19 =	simm.s32 $_scs_section_size  }
0x9a: {  	s4 =	simm.s32 $_size__tile_overlayer_lowered;
	s5 =	simm.s32 $_tile_overlayer_lowered  }
0x9b: {  	s22 =	simm.s32 $0x1BFF;
	s21 =	sshll.u32 s5, $0x1;
	s2 =	sadd.s32 s19, s18  }
0x9c: {  	s6 =	simm.s32 $0x0;
	s20 =	sshll.u32 s4, $0x1;
	s4 =	sadd.s32 s21, s2  }
0x9d: {  	[timem:s6], [sflag:s22] =	dma.local [hbm:s4], s20  }
0x9e: {  	_ =	swait.ge [sflag:s22], s20  }
0x9f: {  	s3 =	ssub.s32 $0x0, s20;
	[sflag:s22] =	ssyncset.done $0x0  }
0xa0: {  	[sflag:s22] =	ssyncadd.s32 s3;
	_ =	sdelay $0x1  }
0xa1: {  	s23 =	simm.s32 $0x1B8B  }
0xa2: {  	_ =	swait.ge [sflag:s23], $0x1  }
0xa3: {  	[sflag:s23] =	ssyncset.done $0x0  }
0xa4: {  	s25 =	simm.s32 $0x1B8E;
	s24 =	sld [smem:$0x3FFE];
	[sflag:s23] =	ssyncadd.s32 $0xFFFFFFFF  }
0xa5: {  	s26 =	simm.s32 $execute0_lowered;
	[smem:$0x3FD2] =	sst s25  }
0xa6: {  	s4 =	sshll.u32 s26, $0x1;
	_ =	strace $0x80000046;
	[dreg:$0x1] =	wrdreg $0xFFFFFFFF  }
0xa7: {  	s28 =	simm.s32 $_size_execute0_lowered;
	s2 =	sadd.s32 s2, s4;
	[dreg:$0x0] =	wrdreg $0x0  }
0xa8: {  	s4 =	sshll.u32 s28, $0x1;
	[dreg:$0x2] =	wrdreg s2  }
0xa9: {  	[dreg:$0x3] =	wrdreg s4  }
0xaa: {  	[dreg:$0x4] =	wrdreg $0xC0  }
0xab: {  	_ =	task [dreg:s6], $0x5FFFF  }
0xac: {  	[dreg:$0x1] =	wrdreg $0xFFFFFFFF  }
0xad: {  	[dreg:$0x0] =	wrdreg $0x60  }
0xae: {  	[dreg:$0x2] =	wrdreg s24  }
0xaf: {  	[dreg:$0x3] =	wrdreg $0x9  }
0xb0: {  	_ =	task.clear_ibuf [dreg:s6], $0x4FFFF;
	_ =	strace $0x90000046  }
0xb1: {  	s29 =	simm.s32 $0x9;
	_ =	strace $0x80000048  }
0xb2: {  	_ =	swait.ge [sflag:s29], $0x1  }
0xb3: {  	[sflag:s29] =	ssyncadd.s32 $0xFFFFFFFF  }
0xb4: {  	_ =	strace $0x90000048  }
0xb5: {  	_ =	sfence  }
0xb6: {  	s30 =	sld [smem:$0x0];
	_ =	sdelay $0x2  }
0xb7: {  	s31 =	sshll.u32 s1, $0xD;
	s1 =	sshrl.u32 s1, $0x2  }
0xb8: {  	s3 =	sand.u32 $0x4000, s31;
	s1 =	sadd.s32 s1, s30  }
0xb9: {  	s0 =	sor.u32 s3, s0;
	s1 =	sshll.u32 s1, $0x11  }
0xba: {  	s0 =	sor.u32 s1, s0  }
0xbb: {  	s0 =	sadd.s32 $0x8F2B, s0  }
0xbc: {  	[sflag:s0] =	ssyncadd.remote.s32 $0x1  }
0xbd: {  	_ =	sfence.sel $0xFFFF  }
0xbe: {  	[dreg:$0x0] =	wrdreg $0xFFFFFFFF;
	(pc) =	sbr.abs _section_cstart, $3  }
0xbf: {  	[dreg:$0x1] =	wrdreg $0xFFFFFFFF  }
0xc0: {  	_ =	task.clear_ibuf [dreg:s6], $0x2FFFF;
	_ =	strace $0x9FFFFFFF  }
0xc1: {  	(tm) =	ssettm $0x7FFFFFFF  }
tec
execute0_lowered:
.L_overlay_start_1:
0x0: {  	(tag) =	ssettag $0x1  }
0x1: {  	s5 =	rddreg [dreg:$0x0]  }
0x2: {  	s0 =	rddreg [dreg:$0x1]  }
0x3: {  	s1 =	simm.s32 $0x0;
	s2 =	srdreg.scid;
	s10 =	simm.s32 $0x4400  }
0x4: {  	s11 =	simm.s32 $0x4200;
	s12 =	simm.s32 $0xC400;
	s13 =	simm.s32 $0x1  }
0x5: {  	s14 =	simm.s32 $0x2;
	s15 =	simm.s32 $0x0;
	[smem:$0x7FF] =	sst s1  }
0x6: {  	s3 =	sadd.s32 $0x1400, s5;
	s6 =	sand.u32 $0x1, s2;
	s4 =	sadd.s32 $0xC00, s5  }
0x7: {  	s2 =	stileid.u32;
	s5 =	sadd.s32 $0x5400, s5;
	s7 =	ssub.s32 $0x2, s6  }
0x8: {  	s9 =	sshll.u32 s2, $0x5;
	s6 =	sshll.u32 s6, $0x4;
	s8 =	sshrl.u32 s7, $0x1  }
0x9: {  	_ =	strace $0x80000047;
	s6 =	sor.u32 s6, s9;
	s7 =	ssub.s32 s7, s8  }
0xa: {  	s9 =	simm.s32 $0x4000;
	s8 =	simm.s32 $0x3;
	s7 =	smax.u32 s7, $0x1  }
.LBB2_1:
0xb: {  	[tilespmem:s1], [sflag:$0x3] =	stream.linear.gather [hbm4b:s4+s1], $0x4000, $0x38;
	[tilespmem:$0x14400] =	vst v63  }
0xc: {  	_ =	swait.ge [sflag:s8], $0x4000  }
0xd: {  	[sflag:s8] =	ssyncset.done $0x0  }
0xe: {  	s16 =	simm.s32 $0x0;
	[sflag:s8] =	ssyncadd.s32 $0xFFFFC000  }
.LBB2_2:
0xf: {  	p0 =	seq.s32 s16, $0x0  }
0x10: {  	s17 =	sshll.u32 s16, $0x2;
	s18 =	simm.s32 @!p0 $0x1  }
0x11: {  	s17 =	sor.u32 s6, s17;
	_ =	swait.ge @!p0 [sflag:s18], $0x8000  }
0x12: {  	s19 =	sshll.u32 s17, $0x5;
	[sflag:s18] =	ssyncset.done @!p0 $0x0  }
0x13: {  	s19 =	sadd.s32 s3, s19;
	[sflag:s18] =	ssyncadd.s32 @!p0 $0xFFFF8000;
	s18 =	simm.s32 $0x0  }
0x14: {  	[tilespmem:s9], [sflag:$0x3] =	stream.linear.gather [hbm4b:s19+s18], $0x200, $0x38;
	[tilespmem:$0x14400] =	vst v63  }
0x15: {  	_ =	swait.ge [sflag:s8], $0x200  }
0x16: {  	[sflag:s8] =	ssyncset.done $0x0  }
0x17: {  	s30 =	simm.s32 $0x40;
	[sflag:s8] =	ssyncadd.s32 $0xFFFFFE00  }
0x18: {  	v0 =	vld [tilespmem:s30+$0x30]  }
0x19: {  	v1 =	vld [tilespmem:s30+$0xFFFFFFC0]  }
0x1a: {  	v2 =	vld [tilespmem:s30+$0xFFFFFFD0]  }
0x1b: {  	v3 =	vld [tilespmem:s30+$0xFFFFFFE0]  }
0x1c: {  	v4 =	vld [tilespmem:s30+$0xFFFFFFF0]  }
0x1d: {  	v5 =	vld [tilespmem:s30+$0x0]  }
0x1e: {  	v6 =	vld [tilespmem:s30+$0x10]  }
0x1f: {  	v7 =	vld [tilespmem:s30+$0x20]  }
0x20: {  	v8 =	vld.idx.msk [tilespmem:v0+s9+$0x0], $0xffff  }
0x21: {  	v9 =	vld.idx.msk [tilespmem:v1+s9+$0x0], $0xffff  }
0x22: {  	s31 =	simm.s32 $0x0;
	s20 =	simm.s32 $0x0;
	v10 =	vld.idx.msk [tilespmem:v2+s9+$0x0], $0xffff  }
0x23: {  	s20 =	sand.u32 $0x380, s20;
	s19 =	sand.u32 $0x3800, s31;
	v0 =	vadd.s32 $0x100, v0;
	v11 =	vld.idx.msk [tilespmem:v3+s9+$0x0], $0xffff  }
0x24: {  	s21 =	sand.u32 $0x400, s18;
	s19 =	sor.u32 s20, s19;
	v1 =	vadd.s32 $0x100, v1;
	v12 =	vld.idx.msk [tilespmem:v4+s9+$0x0], $0xffff  }
0x25: {  	s20 =	sor.u32 s21, s19;
	v2 =	vadd.s32 $0x100, v2;
	v13 =	vld.idx.msk [tilespmem:v5+s9+$0x0], $0xffff  }
0x26: {  	v3 =	vadd.s32 $0x100, v3;
	v14 =	vld.idx.msk [tilespmem:v6+s9+$0x0], $0xffff;
	[tilespmem:s20+$0x4470] =	vst v8  }
0x27: {  	v4 =	vadd.s32 $0x100, v4;
	v62 =	vld.idx.msk [tilespmem:v7+s9+$0x0], $0xffff;
	[tilespmem:s20+$0x4400] =	vst v9  }
0x28: {  	v5 =	vadd.s32 $0x100, v5;
	[tilespmem:s20+$0x4410] =	vst v10;
	v8 =	vld.idx.msk [tilespmem:v0+s9+$0x0], $0xffff  }
0x29: {  	v6 =	vadd.s32 $0x100, v6;
	[tilespmem:s20+$0x4420] =	vst v11;
	v63 =	vld.idx.msk [tilespmem:v1+s9+$0x0], $0xffff  }
0x2a: {  	v7 =	vadd.s32 $0x100, v7;
	[tilespmem:s20+$0x4430] =	vst v12;
	v0 =	vld.idx.msk [tilespmem:v2+s9+$0x0], $0xffff  }
0x2b: {  	[tilespmem:s20+$0x4440] =	vst v13;
	v1 =	vld.idx.msk [tilespmem:v3+s9+$0x0], $0xffff  }
0x2c: {  	[tilespmem:s20+$0x4450] =	vst v14;
	v2 =	vld.idx.msk [tilespmem:v4+s9+$0x0], $0xffff  }
0x2d: {  	[tilespmem:s20+$0x4460] =	vst v62;
	v3 =	vld.idx.msk [tilespmem:v5+s9+$0x0], $0xffff  }
0x2e: {  	v4 =	vld.idx.msk [tilespmem:v6+s9+$0x0], $0xffff;
	[tilespmem:s20+$0x8470] =	vst v8  }
0x2f: {  	s19 =	simm.s32 $0x0;
	s21 =	simm.s32 $0xC0;
	v5 =	vld.idx.msk [tilespmem:v7+s9+$0x0], $0xffff;
	[tilespmem:s20+$0x8400] =	vst v63  }
.LBB2_3:
0x30: {  	v6 =	vld [tilespmem:s21+$0x30];
	[tilespmem:s20+$0x8410] =	vst v0  }
0x31: {  	v0 =	vld [tilespmem:s21+$0xFFFFFFC0];
	[tilespmem:s20+$0x8420] =	vst v1  }
0x32: {  	v1 =	vld [tilespmem:s21+$0xFFFFFFD0];
	[tilespmem:s20+$0x8430] =	vst v2  }
0x33: {  	v2 =	vld [tilespmem:s21+$0xFFFFFFE0];
	[tilespmem:s20+$0x8440] =	vst v3  }
0x34: {  	v3 =	vld [tilespmem:s21+$0xFFFFFFF0];
	[tilespmem:s20+$0x8450] =	vst v4  }
0x35: {  	v4 =	vld [tilespmem:s21+$0x0];
	[tilespmem:s20+$0x8460] =	vst v5  }
0x36: {  	v5 =	vadd.s32 $0x100, v0;
	v7 =	vld [tilespmem:s21+$0x10]  }
0x37: {  	v8 =	vadd.s32 $0x100, v1;
	v9 =	vld [tilespmem:s21+$0x20]  }
0x38: {  	v10 =	vadd.s32 $0x100, v2;
	v11 =	vld.idx.msk [tilespmem:v6+s9+$0x0], $0xffff  }
0x39: {  	s19 =	sadd.s32 $0x8, s19;
	v0 =	vld.idx.msk [tilespmem:v0+s9+$0x0], $0xffff;
	v12 =	vadd.s32 $0x100, v3  }
0x3a: {  	s22 =	sshll.u32 s19, $0x3;
	p1 =	slt.u32 s19, $0x3F8;
	s20 =	sshll.u32 s19, $0x4;
	v6 =	vadd.s32 $0x100, v6;
	v1 =	vld.idx.msk [tilespmem:v1+s9+$0x0], $0xffff;
	v13 =	vadd.s32 $0x100, v4  }
0x3b: {  	s18 =	sadd.s32 $0x400, s18;
	s22 =	sand.u32 $0x380, s22;
	s20 =	sand.u32 $0x3800, s20;
	v2 =	vld.idx.msk [tilespmem:v2+s9+$0x0], $0xffff;
	v14 =	vadd.s32 $0x100, v7  }
0x3c: {  	s23 =	sand.u32 $0x400, s18;
	s20 =	sor.u32 s22, s20;
	v3 =	vld.idx.msk [tilespmem:v3+s9+$0x0], $0xffff;
	v15 =	vadd.s32 $0x100, v9  }
0x3d: {  	s20 =	sor.u32 s23, s20;
	v4 =	vld.idx.msk [tilespmem:v4+s9+$0x0], $0xffff  }
0x3e: {  	v7 =	vld.idx.msk [tilespmem:v7+s9+$0x0], $0xffff;
	[tilespmem:s20+$0x4470] =	vst v11  }
0x3f: {  	[tilespmem:s20+$0x4400] =	vst v0;
	v6 =	vld.idx.msk [tilespmem:v6+s9+$0x0], $0xffff  }
0x40: {  	[tilespmem:s20+$0x4410] =	vst v1;
	v9 =	vld.idx.msk [tilespmem:v9+s9+$0x0], $0xffff  }
0x41: {  	v5 =	vld.idx.msk [tilespmem:v5+s9+$0x0], $0xffff;
	[tilespmem:s20+$0x4420] =	vst v2  }
0x42: {  	v0 =	vld.idx.msk [tilespmem:v8+s9+$0x0], $0xffff;
	[tilespmem:s20+$0x4430] =	vst v3  }
.Ltmp0:
0x43: {  	v1 =	vld.idx.msk [tilespmem:v10+s9+$0x0], $0xffff;
	[tilespmem:s20+$0x4440] =	vst v4;
	(pc) =	sbr.rel @p1 .LBB2_3-.Ltmp0, $4  }
0x44: {  	v2 =	vld.idx.msk [tilespmem:v12+s9+$0x0], $0xffff;
	[tilespmem:s20+$0x4450] =	vst v7  }
0x45: {  	v3 =	vld.idx.msk [tilespmem:v13+s9+$0x0], $0xffff;
	[tilespmem:s20+$0x8470] =	vst v6  }
0x46: {  	v4 =	vld.idx.msk [tilespmem:v14+s9+$0x0], $0xffff;
	[tilespmem:s20+$0x4460] =	vst v9  }
0x47: {  	s21 =	sadd.s32 $0x80, s21;
	[tilespmem:s20+$0x8400] =	vst v5;
	v5 =	vld.idx.msk [tilespmem:v15+s9+$0x0], $0xffff  }
0x48: {  	[tilespmem:s20+$0x8410] =	vst v0  }
0x49: {  	[tilespmem:s20+$0x8420] =	vst v1  }
0x4a: {  	[tilespmem:s20+$0x8430] =	vst v2  }
0x4b: {  	[tilespmem:s20+$0x8440] =	vst v3  }
0x4c: {  	s18 =	sshll.u32 s17, $0xB;
	[tilespmem:s20+$0x8450] =	vst v4  }
0x4d: {  	s18 =	sadd.s32 s5, s18;
	[tilespmem:s20+$0x8460] =	vst v5  }
0x4e: {  	[hbm4b:s18+s1] =	stream.linear.scatter [tilespmem:s10], [sflag:$0x1], $0x8000, $0x38;
	[tilespmem:$0x14400] =	vst v63  }
0x4f: {  	s18 =	simm.s32 @!p0 $0x2  }
0x50: {  	s17 =	sor.u32 $0x2, s17;
	_ =	swait.ge @!p0 [sflag:s18], $0x8000  }
0x51: {  	s19 =	sshll.u32 s17, $0x5;
	[sflag:s18] =	ssyncset.done @!p0 $0x0  }
0x52: {  	s19 =	sadd.s32 s3, s19;
	[sflag:s18] =	ssyncadd.s32 @!p0 $0xFFFF8000;
	s18 =	simm.s32 $0x0  }
0x53: {  	[tilespmem:s11], [sflag:$0x3] =	stream.linear.gather [hbm4b:s19+s18], $0x200, $0x38;
	[tilespmem:$0x14400] =	vst v63  }
0x54: {  	_ =	swait.ge [sflag:s8], $0x200  }
0x55: {  	[sflag:s8] =	ssyncset.done $0x0  }
0x56: {  	s29 =	simm.s32 $0x40;
	[sflag:s8] =	ssyncadd.s32 $0xFFFFFE00  }
0x57: {  	v0 =	vld [tilespmem:s29+$0x30]  }
0x58: {  	v1 =	vld [tilespmem:s29+$0xFFFFFFC0]  }
0x59: {  	v2 =	vld [tilespmem:s29+$0xFFFFFFD0]  }
0x5a: {  	v3 =	vld [tilespmem:s29+$0xFFFFFFE0]  }
0x5b: {  	v4 =	vld [tilespmem:s29+$0xFFFFFFF0]  }
0x5c: {  	v5 =	vld [tilespmem:s29+$0x0]  }
0x5d: {  	v6 =	vld [tilespmem:s29+$0x10]  }
0x5e: {  	v7 =	vld [tilespmem:s29+$0x20]  }
0x5f: {  	v8 =	vld.idx.msk [tilespmem:v0+s11+$0x0], $0xffff  }
0x60: {  	v9 =	vld.idx.msk [tilespmem:v1+s11+$0x0], $0xffff  }
0x61: {  	s30 =	simm.s32 $0x0;
	s31 =	simm.s32 $0x0;
	v10 =	vld.idx.msk [tilespmem:v2+s11+$0x0], $0xffff  }
0x62: {  	s20 =	sand.u32 $0x380, s31;
	s19 =	sand.u32 $0x3800, s30;
	v0 =	vadd.s32 $0x100, v0;
	v11 =	vld.idx.msk [tilespmem:v3+s11+$0x0], $0xffff  }
0x63: {  	s21 =	sand.u32 $0x400, s18;
	s19 =	sor.u32 s20, s19;
	v1 =	vadd.s32 $0x100, v1;
	v12 =	vld.idx.msk [tilespmem:v4+s11+$0x0], $0xffff  }
0x64: {  	s20 =	sor.u32 s21, s19;
	v2 =	vadd.s32 $0x100, v2;
	v13 =	vld.idx.msk [tilespmem:v5+s11+$0x0], $0xffff  }
0x65: {  	v3 =	vadd.s32 $0x100, v3;
	v14 =	vld.idx.msk [tilespmem:v6+s11+$0x0], $0xffff;
	[tilespmem:s20+$0xC470] =	vst v8  }
0x66: {  	v4 =	vadd.s32 $0x100, v4;
	v62 =	vld.idx.msk [tilespmem:v7+s11+$0x0], $0xffff;
	[tilespmem:s20+$0xC400] =	vst v9  }
0x67: {  	v5 =	vadd.s32 $0x100, v5;
	[tilespmem:s20+$0xC410] =	vst v10;
	v8 =	vld.idx.msk [tilespmem:v0+s11+$0x0], $0xffff  }
0x68: {  	v6 =	vadd.s32 $0x100, v6;
	[tilespmem:s20+$0xC420] =	vst v11;
	v63 =	vld.idx.msk [tilespmem:v1+s11+$0x0], $0xffff  }
0x69: {  	v7 =	vadd.s32 $0x100, v7;
	[tilespmem:s20+$0xC430] =	vst v12;
	v0 =	vld.idx.msk [tilespmem:v2+s11+$0x0], $0xffff  }
0x6a: {  	[tilespmem:s20+$0xC440] =	vst v13;
	v1 =	vld.idx.msk [tilespmem:v3+s11+$0x0], $0xffff  }
0x6b: {  	[tilespmem:s20+$0xC450] =	vst v14;
	v2 =	vld.idx.msk [tilespmem:v4+s11+$0x0], $0xffff  }
0x6c: {  	s21 =	sadd.s32 $0xC400, s20;
	[tilespmem:s20+$0xC460] =	vst v62;
	v3 =	vld.idx.msk [tilespmem:v5+s11+$0x0], $0xffff  }
0x6d: {  	v4 =	vld.idx.msk [tilespmem:v6+s11+$0x0], $0xffff;
	[tilespmem:s21+$0x4070] =	vst v8  }
0x6e: {  	s19 =	simm.s32 $0x0;
	v5 =	vld.idx.msk [tilespmem:v7+s11+$0x0], $0xffff;
	[tilespmem:s20+$0x10400] =	vst v63;
	s20 =	simm.s32 $0xC0  }
.LBB2_5:
0x6f: {  	v6 =	vld [tilespmem:s20+$0x30];
	[tilespmem:s21+$0x4010] =	vst v0  }
0x70: {  	v0 =	vld [tilespmem:s20+$0xFFFFFFC0];
	[tilespmem:s21+$0x4020] =	vst v1  }
0x71: {  	v1 =	vld [tilespmem:s20+$0xFFFFFFD0];
	[tilespmem:s21+$0x4030] =	vst v2  }
0x72: {  	v2 =	vld [tilespmem:s20+$0xFFFFFFE0];
	[tilespmem:s21+$0x4040] =	vst v3  }
0x73: {  	v3 =	vld [tilespmem:s20+$0xFFFFFFF0];
	[tilespmem:s21+$0x4050] =	vst v4  }
0x74: {  	v4 =	vld [tilespmem:s20+$0x0];
	[tilespmem:s21+$0x4060] =	vst v5  }
0x75: {  	v5 =	vadd.s32 $0x100, v0;
	v7 =	vld [tilespmem:s20+$0x10]  }
0x76: {  	v8 =	vadd.s32 $0x100, v1;
	v9 =	vld [tilespmem:s20+$0x20]  }
0x77: {  	v10 =	vadd.s32 $0x100, v2;
	v11 =	vld.idx.msk [tilespmem:v6+s11+$0x0], $0xffff  }
0x78: {  	s19 =	sadd.s32 $0x8, s19;
	v0 =	vld.idx.msk [tilespmem:v0+s11+$0x0], $0xffff;
	v12 =	vadd.s32 $0x100, v3  }
0x79: {  	s22 =	sshll.u32 s19, $0x3;
	p0 =	slt.u32 s19, $0x3F8;
	s21 =	sshll.u32 s19, $0x4;
	v6 =	vadd.s32 $0x100, v6;
	v1 =	vld.idx.msk [tilespmem:v1+s11+$0x0], $0xffff;
	v13 =	vadd.s32 $0x100, v4  }
0x7a: {  	s18 =	sadd.s32 $0x400, s18;
	s22 =	sand.u32 $0x380, s22;
	s21 =	sand.u32 $0x3800, s21;
	v2 =	vld.idx.msk [tilespmem:v2+s11+$0x0], $0xffff;
	v14 =	vadd.s32 $0x100, v7  }
0x7b: {  	s23 =	sand.u32 $0x400, s18;
	s21 =	sor.u32 s22, s21;
	v3 =	vld.idx.msk [tilespmem:v3+s11+$0x0], $0xffff;
	v15 =	vadd.s32 $0x100, v9  }
0x7c: {  	s22 =	sor.u32 s23, s21;
	v4 =	vld.idx.msk [tilespmem:v4+s11+$0x0], $0xffff  }
0x7d: {  	v7 =	vld.idx.msk [tilespmem:v7+s11+$0x0], $0xffff;
	[tilespmem:s22+$0xC470] =	vst v11  }
0x7e: {  	[tilespmem:s22+$0xC400] =	vst v0;
	v6 =	vld.idx.msk [tilespmem:v6+s11+$0x0], $0xffff  }
0x7f: {  	[tilespmem:s22+$0xC410] =	vst v1;
	v9 =	vld.idx.msk [tilespmem:v9+s11+$0x0], $0xffff  }
0x80: {  	v5 =	vld.idx.msk [tilespmem:v5+s11+$0x0], $0xffff;
	[tilespmem:s22+$0xC420] =	vst v2  }
0x81: {  	v0 =	vld.idx.msk [tilespmem:v8+s11+$0x0], $0xffff;
	[tilespmem:s22+$0xC430] =	vst v3  }
.Ltmp1:
0x82: {  	v1 =	vld.idx.msk [tilespmem:v10+s11+$0x0], $0xffff;
	[tilespmem:s22+$0xC440] =	vst v4;
	(pc) =	sbr.rel @p0 .LBB2_5-.Ltmp1, $4  }
0x83: {  	s21 =	sadd.s32 $0xC400, s22;
	v2 =	vld.idx.msk [tilespmem:v12+s11+$0x0], $0xffff;
	[tilespmem:s22+$0xC450] =	vst v7  }
0x84: {  	v3 =	vld.idx.msk [tilespmem:v13+s11+$0x0], $0xffff;
	[tilespmem:s21+$0x4070] =	vst v6  }
0x85: {  	v4 =	vld.idx.msk [tilespmem:v14+s11+$0x0], $0xffff;
	[tilespmem:s22+$0xC460] =	vst v9  }
0x86: {  	s20 =	sadd.s32 $0x80, s20;
	[tilespmem:s22+$0x10400] =	vst v5;
	v5 =	vld.idx.msk [tilespmem:v15+s11+$0x0], $0xffff  }
0x87: {  	[tilespmem:s21+$0x4010] =	vst v0;
	s16 =	sadd.s32 $0x1, s16  }
0x88: {  	[tilespmem:s21+$0x4020] =	vst v1;
	p0 =	sne.s32 s16, $0x4  }
.Ltmp2:
0x89: {  	[tilespmem:s21+$0x4030] =	vst v2;
	(pc) =	sbr.rel @p0 .LBB2_2-.Ltmp2, $4  }
0x8a: {  	[tilespmem:s21+$0x4040] =	vst v3  }
0x8b: {  	s17 =	sshll.u32 s17, $0xB;
	[tilespmem:s21+$0x4050] =	vst v4  }
0x8c: {  	s17 =	sadd.s32 s5, s17;
	[tilespmem:s21+$0x4060] =	vst v5  }
0x8d: {  	[hbm4b:s17+s1] =	stream.linear.scatter [tilespmem:s12], [sflag:$0x2], $0x8000, $0x38;
	[tilespmem:$0x14400] =	vst v63  }
0x8e: {  	s15 =	sadd.s32 $0x1, s15  }
0x8f: {  	_ =	swait.ge [sflag:s13], $0x8000;
	p0 =	sne.s32 s15, s7  }
.Ltmp3:
0x90: {  	[sflag:s13] =	ssyncset.done $0x0;
	(pc) =	sbr.rel @p0 .LBB2_1-.Ltmp3, $4  }
0x91: {  	[sflag:s13] =	ssyncadd.s32 $0xFFFF8000  }
0x92: {  	_ =	swait.ge [sflag:s14], $0x8000  }
0x93: {  	[sflag:s14] =	ssyncset.done $0x0  }
0x94: {  	[sflag:s14] =	ssyncadd.s32 $0xFFFF8000  }
0x95: {  	_ =	sfence.sel $0x180000  }
0x96: {  	[bflag:$0x0] =	sbarrier.arrive $0xFFFF  }
0x97: {  	p0 =	sne.s32 s2, $0x0;
	_ =	strace $0x90000047  }
0x98: {  	s0 =	sadd.s32 @!p0 $0x100000, s0;
	[bflag:$0x2] =	sbarrier.arrive $0xFFFF  }
0x99: {  	[sflag:s0] =	ssyncadd.tile.s32 @!p0 $0x1;
	_ =	shalt  }
.Lfunc_end2:
_tile_overlayer_lowered:
.L_overlay_start_2:
0x9a: {  	(tag) =	ssettag $0x2  }
0x9b: {  	s0 =	rddreg [dreg:$0x0];
	s2 =	stileid.u32  }
0x9c: {  	s1 =	rddreg [dreg:$0x1];
	p0 =	sne.s32 s2, $0x0  }
0x9d: {  	s3 =	rddreg [dreg:$0x2];
	[bflag:$0x3] =	sbarrier.arrive $0xFFFF;
	s2 =	simm.s32 @!p0 $0x1C03  }
0x9e: {  	[timem:s3], [sflag:s2] =	dma.local @!p0 [hbm:s0], s1  }
0x9f: {  	s0 =	simm.s32 @!p0 $0x3  }
0xa0: {  	_ =	swait.ge @!p0 [sflag:s0], s1  }
0xa1: {  	s1 =	ssub.s32 @!p0 $0x0, s1;
	[sflag:s0] =	ssyncset.done @!p0 $0x0  }
0xa2: {  	[sflag:s0] =	ssyncadd.s32 @!p0 s1  }
0xa3: {  	[bflag:$0x3] =	sbarrier.arrive $0xFFFF  }
0xa4: {  	_ =	shalt  }

</sc_bundles>
